<compile_context>
chip_gen: v7x
topology: tpu7x:2x2x1
jax: 0.10.2.dev20260603
libtpu: 0.0.44.dev20260713+nightly
codegen_flags: <defaults>
</compile_context>

<pallas_src>
import functools

import jax
import jax.numpy as jnp
from jax import lax
from jax.experimental import pallas as pl
from jax.experimental.pallas import tpu as pltpu
from jax.experimental.pallas import tpu_sc as plsc

NC = 2
NS = 16
CH = 128
W = 48
EW = 128
HI = jax.lax.Precision.HIGHEST


def _sc_aggregate(src, dst, h, ef32):
    e = src.shape[0]
    n, dh = h.shape
    nv = e // CH
    tpb = -(-nv // (NS * NC))
    tpb = -(-tpb // 8) * 8
    nvpad = tpb * NS * NC
    rows_per_sub = -(-n // (8 * NS)) * 8
    npad = rows_per_sub * NS

    mesh = plsc.VectorSubcoreMesh(core_axis_name="c", subcore_axis_name="s",
                                  num_cores=NC)

    @functools.partial(
        pl.kernel,
        mesh=mesh,
        out_type=jax.ShapeDtypeStruct((NC, npad, dh), jnp.float32),
        scratch_types=[
            pltpu.VMEM((W, CH), jnp.int32),
            pltpu.VMEM((W, CH), jnp.int32),
            pltpu.VMEM((CH, dh), jnp.float32),
            pltpu.VMEM((CH, dh), jnp.float32),
            pltpu.VMEM_SHARED((npad, dh), jnp.float32),
            pltpu.SemaphoreType.DMA,
            pltpu.SemaphoreType.DMA,
        ],
    )
    def agg_h(src_hbm, dst_hbm, h_hbm, zh_hbm, out_hbm,
              srcw, dstw, r0, r1, acc_sh, s0, s1):
        s = lax.axis_index("s")
        c = lax.axis_index("c")
        zbase = s * rows_per_sub
        pltpu.sync_copy(zh_hbm, acc_sh.at[pl.ds(zbase, rows_per_sub)])
        plsc.subcore_barrier()

        start = (s * NC + c) * tpb
        nch = jnp.clip(nv - start, 0, tpb)
        nwin = -(-nch // W)

        def fire(g, rbuf, sem):
            pltpu.async_copy(h_hbm.at[srcw.at[g]], rbuf, sem)

        def wait(g, rbuf, sem):
            pltpu.make_async_copy(h_hbm.at[srcw.at[g]], rbuf, sem).wait()

        def scat(g, rbuf):
            pltpu.sync_copy(rbuf, acc_sh.at[dstw.at[g]], add=True)

        def window(w, carry):
            wbase = start + w * W
            nc = jnp.minimum(W, nch - w * W)
            last = nc - 1
            pltpu.sync_copy(src_hbm.at[pl.ds(wbase, W)], srcw)
            pltpu.sync_copy(dst_hbm.at[pl.ds(wbase, W)], dstw)
            fire(0, r0, s0)
            fire(jnp.minimum(1, last), r1, s1)

            def pair(p, c):
                g0 = 2 * p
                g1 = g0 + 1
                wait(g0, r0, s0)
                scat(g0, r0)
                fire(jnp.minimum(g0 + 2, last), r0, s0)
                wait(g1, r1, s1)
                scat(g1, r1)
                fire(jnp.minimum(g1 + 2, last), r1, s1)
                return c

            lax.fori_loop(0, nc // 2, pair, 0)
            wait(last, r0, s0)

            @pl.when(nc % 2 == 1)
            def _():
                scat(last, r0)

            wait(last, r1, s1)
            return carry

        lax.fori_loop(0, nwin, window, 0)
        plsc.subcore_barrier()
        pltpu.sync_copy(acc_sh.at[pl.ds(zbase, rows_per_sub)],
                        out_hbm.at[c, pl.ds(zbase, rows_per_sub)])

    @functools.partial(
        pl.kernel,
        mesh=mesh,
        out_type=jax.ShapeDtypeStruct((NC, npad, EW), jnp.float32),
        scratch_types=[
            pltpu.VMEM((W, CH), jnp.int32),
            pltpu.VMEM((CH, EW), jnp.float32),
            pltpu.VMEM((CH, EW), jnp.float32),
            pltpu.VMEM_SHARED((npad, EW), jnp.float32),
            pltpu.SemaphoreType.DMA,
            pltpu.SemaphoreType.DMA,
        ],
    )
    def agg_e(dst_hbm, ef_hbm, ze_hbm, out_hbm,
              dstw, e0, e1, acc_sh, s0, s1):
        s = lax.axis_index("s")
        c = lax.axis_index("c")
        zbase = s * rows_per_sub
        pltpu.sync_copy(ze_hbm, acc_sh.at[pl.ds(zbase, rows_per_sub)])
        plsc.subcore_barrier()

        start = (s * NC + c) * tpb
        nch = jnp.clip(nv - start, 0, tpb)
        nwin = -(-nch // W)

        def window(w, carry):
            wbase = start + w * W
            nc = jnp.minimum(W, nch - w * W)
            last = nc - 1
            pltpu.sync_copy(dst_hbm.at[pl.ds(wbase, W)], dstw)

            def fire(g, ebuf, sem):
                pltpu.async_copy(ef_hbm.at[pl.ds((wbase + g) * CH, CH)],
                                 ebuf, sem)

            def wait(g, ebuf, sem):
                pltpu.make_async_copy(
                    ef_hbm.at[pl.ds((wbase + g) * CH, CH)], ebuf, sem).wait()

            def scat(g, ebuf):
                pltpu.sync_copy(ebuf, acc_sh.at[dstw.at[g]], add=True)

            fire(0, e0, s0)
            fire(jnp.minimum(1, last), e1, s1)

            def pair(p, c):
                g0 = 2 * p
                g1 = g0 + 1
                wait(g0, e0, s0)
                scat(g0, e0)
                fire(jnp.minimum(g0 + 2, last), e0, s0)
                wait(g1, e1, s1)
                scat(g1, e1)
                fire(jnp.minimum(g1 + 2, last), e1, s1)
                return c

            lax.fori_loop(0, nc // 2, pair, 0)
            wait(last, e0, s0)

            @pl.when(nc % 2 == 1)
            def _():
                scat(last, e0)

            wait(last, e1, s1)
            return carry

        lax.fori_loop(0, nwin, window, 0)
        plsc.subcore_barrier()
        pltpu.sync_copy(acc_sh.at[pl.ds(zbase, rows_per_sub)],
                        out_hbm.at[c, pl.ds(zbase, rows_per_sub)])

    pad = nvpad - nv
    src2d = jnp.concatenate(
        [src.reshape(nv, CH), jnp.zeros((pad, CH), jnp.int32)])
    dst2d = jnp.concatenate(
        [dst.reshape(nv, CH), jnp.zeros((pad, CH), jnp.int32)])
    zh = jnp.zeros((rows_per_sub, dh), jnp.float32)
    ze = jnp.zeros((rows_per_sub, EW), jnp.float32)
    acc_h = agg_h(src2d, dst2d, h, zh)
    acc_e = agg_e(dst2d, ef32, ze)
    return acc_h, acc_e


def _final_body(nf_ref, h_ref, acch_ref, acce_ref, w1_ref, w2_ref, out_ref, *,
                dh, de):
    nf = nf_ref[...]
    acce = acce_ref[0] + acce_ref[1]
    acch = acch_ref[0] + acch_ref[1]
    efsum = acce[:, 0:de]
    deg = acce[:, de:de + 1]
    f32 = jnp.float32
    x = jnp.dot(nf, w1_ref[0:dh], precision=HI, preferred_element_type=f32)
    x += jnp.dot(deg * nf, w1_ref[dh:2 * dh], precision=HI,
                 preferred_element_type=f32)
    x += jnp.dot(efsum, w1_ref[2 * dh:2 * dh + de], precision=HI,
                 preferred_element_type=f32)
    x += jnp.dot(acch, w1_ref[2 * dh + de:], precision=HI,
                 preferred_element_type=f32)
    hn = jnp.dot(jnp.maximum(x, 0.0), w2_ref[...], precision=HI,
                 preferred_element_type=f32)
    out_ref[...] = jnp.where(deg > 0, hn, h_ref[...])


def _final(nf, h, acc_h, acc_e, W1, W2):
    n, dh = nf.shape
    in_dim, hid = W1.shape
    de = in_dim - 3 * dh
    nb = 1000
    return pl.pallas_call(
        functools.partial(_final_body, dh=dh, de=de),
        grid=(n // nb,),
        in_specs=[
            pl.BlockSpec((nb, dh), lambda i: (i, 0)),
            pl.BlockSpec((nb, dh), lambda i: (i, 0)),
            pl.BlockSpec((NC, nb, dh), lambda i: (0, i, 0)),
            pl.BlockSpec((NC, nb, EW), lambda i: (0, i, 0)),
            pl.BlockSpec((in_dim, hid), lambda i: (0, 0)),
            pl.BlockSpec((hid, hid), lambda i: (0, 0)),
        ],
        out_specs=pl.BlockSpec((nb, hid), lambda i: (i, 0)),
        out_shape=jax.ShapeDtypeStruct((n, hid), jnp.float32),
    )(nf, h, acc_h, acc_e, W1, W2)


def kernel(edge_index, h, nf, ef, W1, W2):
    src = edge_index[0].astype(jnp.int32)
    dst = edge_index[1].astype(jnp.int32)
    e, de = ef.shape
    ef32 = jnp.concatenate(
        [ef, jnp.ones((e, 1), jnp.float32),
         jnp.zeros((e, EW - de - 1), jnp.float32)], axis=1)
    acc_h, acc_e = _sc_aggregate(src, dst, h, ef32)
    return _final(nf, h, acc_h, acc_e, W1, W2)

# --- scband reference (transcript-rebuilt; emitter-appended) ---
"""Pipeline reference for scband-sselayer-41308995452950 (READ-ONLY COPY).

The authoritative reference and input builder live on the scoring server;
editing this copy changes nothing except your own understanding.
"""

import jax, jax.numpy as jnp
import numpy as np

N_NODES = 10000
N_EDGES = 320000
NODE_DIM = 128
EDGE_DIM = 16
HIDDEN_DIM = 128


def setup_inputs(seed: int = 0) -> dict:
    key = jax.random.key(seed)
    k1, k2, k3, k4, k5, k6 = jax.random.split(key, 6)
    edge_index = jax.random.randint(k1, (2, N_EDGES), 0, N_NODES, dtype=jnp.int64)
    h = jax.random.normal(k2, (N_NODES, HIDDEN_DIM), dtype=jnp.float32)
    nf = jax.random.normal(k3, (N_NODES, NODE_DIM), dtype=jnp.float32)
    ef = jax.random.normal(k4, (N_EDGES, EDGE_DIM), dtype=jnp.float32)
    in_dim = HIDDEN_DIM + 2 * NODE_DIM + EDGE_DIM
    W1 = jax.random.normal(k5, (in_dim, HIDDEN_DIM), dtype=jnp.float32) * (1.0 / np.sqrt(in_dim))
    W2 = jax.random.normal(k6, (HIDDEN_DIM, HIDDEN_DIM), dtype=jnp.float32) * (1.0 / np.sqrt(HIDDEN_DIM))
    return {"edge_index": edge_index, "h": h, "nf": nf, "ef": ef, "W1": W1, "W2": W2}


def reference(edge_index, h, nf, ef, W1, W2):
    # SSE layer: per-edge message m = [x_dst, e, h_src]; per-node sum of messages;
    # z = [x, sum(m)]; h_new = W2(ReLU(W1(z))). Nodes with zero in-degree keep old h
    # (DGL update_all semantics with UDF reduce).
    src = edge_index[0]
    dst = edge_index[1]
    n = nf.shape[0]
    # gather (SparseCore-mappable)
    x_dst = jnp.take(nf, dst, axis=0)
    h_src = jnp.take(h, src, axis=0)
    m = jnp.concatenate([x_dst, ef, h_src], axis=-1)
    # scatter-add / segment sum over destination nodes
    agg = jax.ops.segment_sum(m, dst, num_segments=n)
    z = jnp.concatenate([nf, agg], axis=-1)
    h_new = jax.nn.relu(z @ W1) @ W2
    # nodes without incoming messages keep previous h
    deg = jax.ops.segment_sum(jnp.ones((edge_index.shape[1],), dtype=jnp.float32), dst, num_segments=n)
    out = jnp.where((deg > 0)[:, None], h_new, h)
    return out

if __name__ == "__main__":
    import jax
    _d = setup_inputs()
    print(jax.jit(kernel)(*tuple(_d.values())))

</pallas_src>

<mosaic_0001>
#map = affine_map<(d0, d1) -> (0, 0)>
#map1 = affine_map<(d0, d1) -> (0, 0, 0)>
module attributes {stable_mosaic.version = 14 : i64} {
  func.func @agg_h(%arg0: i32, %arg1: i32, %arg2: memref<2560x128xi32, #tpu.memory_space<hbm>>, %arg3: memref<2560x128xi32, #tpu.memory_space<hbm>>, %arg4: memref<10000x128xf32, #tpu.memory_space<hbm>>, %arg5: memref<632x128xf32, #tpu.memory_space<hbm>>, %arg6: memref<2x10112x128xf32, #tpu.memory_space<hbm>>, %arg7: memref<48x128xi32, #tpu.memory_space<vmem>>, %arg8: memref<48x128xi32, #tpu.memory_space<vmem>>, %arg9: memref<128x128xf32, #tpu.memory_space<vmem>>, %arg10: memref<128x128xf32, #tpu.memory_space<vmem>>, %arg11: memref<10112x128xf32, #tpu.memory_space<vmem_shared>>, %arg12: memref<!tpu.dma_semaphore, #tpu.memory_space<semaphore_mem>>, %arg13: memref<!tpu.dma_semaphore, #tpu.memory_space<semaphore_mem>>) attributes {dimension_semantics = [#tpu.dimension_semantics<core_parallel>, #tpu.dimension_semantics<subcore_parallel>], iteration_bounds = array<i64: 2, 16>, scalar_prefetch = 0 : i64, scratch_operands = 7 : i64, tpu.core_type = #tpu.core_type<sc_vector_subcore>, window_params = [{transform_indices = #map}, {transform_indices = #map}, {transform_indices = #map}, {transform_indices = #map}, {transform_indices = #map1}]} {
    %mul3A = arith.constant 632 : i32
    %mul3A_0 = arith.muli %arg1, %mul3A : i32
    "tpu.region"() ({
      %run_scoped3A = tpu.sem_alloc : memref<!tpu.dma_semaphore, #tpu.memory_space<semaphore_mem>>
      %dma_start3A = arith.constant 0 : i32
      %dma_start3A_38 = tpu.memref_slice %arg11[%mul3A_0, %dma_start3A] : memref<10112x128xf32, #tpu.memory_space<vmem_shared>> -> memref<632x128xf32, #tpu.memory_space<vmem_shared>>
      tpu.enqueue_dma source(%arg5 : memref<632x128xf32, #tpu.memory_space<hbm>>) target(%dma_start3A_38 : memref<632x128xf32, #tpu.memory_space<vmem_shared>>) target_semaphore(%run_scoped3A : memref<!tpu.dma_semaphore, #tpu.memory_space<semaphore_mem>>)
      %dma_wait3A = arith.constant 0 : i32
      %dma_wait3A_39 = tpu.memref_slice %arg11[%mul3A_0, %dma_wait3A] : memref<10112x128xf32, #tpu.memory_space<vmem_shared>> -> memref<632x128xf32, #tpu.memory_space<vmem_shared>>
      tpu.wait_dma2 semaphore(%run_scoped3A : memref<!tpu.dma_semaphore, #tpu.memory_space<semaphore_mem>>) src(%arg5 : memref<632x128xf32, #tpu.memory_space<hbm>>) dst(%dma_wait3A_39 : memref<632x128xf32, #tpu.memory_space<vmem_shared>>)
      tpu.yield
    }) : () -> ()
    %barrier3A = arith.constant 0 : index
    tpu.barrier barrier_id(%barrier3A)
    %mul3A_1 = arith.constant 2 : i32
    %mul3A_2 = arith.muli %arg1, %mul3A_1 : i32
    %add3A = arith.addi %mul3A_2, %arg0 : i32
    %mul3A_3 = arith.constant 80 : i32
    %mul3A_4 = arith.muli %add3A, %mul3A_3 : i32
    %sub3A = arith.constant 2500 : i32
    %sub3A_5 = arith.subi %sub3A, %mul3A_4 : i32
    %jit3A = arith.constant 0 : i32
    %jit3A_6 = arith.constant 80 : i32
    %max3A = arith.maxsi %jit3A, %sub3A_5 : i32
    %min3A = arith.minsi %jit3A_6, %max3A : i32
    %neg3A = arith.constant 0 : i32
    %neg3A_7 = arith.subi %neg3A, %min3A : i32
    %jit3A_8 = arith.constant 48 : i32
    %div3A = arith.divsi %neg3A_7, %jit3A_8 : i32
    %sign3A = arith.constant 0 : i32
    %sign3A_9 = arith.cmpi sgt, %neg3A_7, %sign3A : i32
    %sign3A_10 = arith.extui %sign3A_9 : i1 to i32
    %sign3A_11 = arith.constant 0 : i32
    %sign3A_12 = arith.cmpi slt, %neg3A_7, %sign3A_11 : i32
    %sign3A_13 = arith.extui %sign3A_12 : i1 to i32
    %sign3A_14 = arith.subi %sign3A_10, %sign3A_13 : i32
    %sign3A_15 = arith.constant 0 : i32
    %sign3A_16 = arith.cmpi sgt, %jit3A_8, %sign3A_15 : i32
    %sign3A_17 = arith.extui %sign3A_16 : i1 to i32
    %sign3A_18 = arith.constant 0 : i32
    %sign3A_19 = arith.cmpi slt, %jit3A_8, %sign3A_18 : i32
    %sign3A_20 = arith.extui %sign3A_19 : i1 to i32
    %sign3A_21 = arith.subi %sign3A_17, %sign3A_20 : i32
    %ne3A = arith.cmpi ne, %sign3A_14, %sign3A_21 : i32
    %rem3A = arith.remsi %neg3A_7, %jit3A_8 : i32
    %ne3A_22 = arith.constant 0 : i32
    %ne3A_23 = arith.cmpi ne, %rem3A, %ne3A_22 : i32
    %and3A = arith.andi %ne3A, %ne3A_23 : i1
    %sub3A_24 = arith.constant 1 : i32
    %sub3A_25 = arith.subi %div3A, %sub3A_24 : i32
    %select_n3A = arith.select %and3A, %sub3A_25, %div3A : i32
    %neg3A_26 = arith.constant 0 : i32
    %neg3A_27 = arith.subi %neg3A_26, %select_n3A : i32
    %while3A = arith.constant 0 : i32
    %while3A_28 = arith.constant 0 : i32
    %while3A_29 = arith.subi %neg3A_27, %while3A_28 : i32
    %while3A_30 = arith.addi %while3A_28, %while3A_29 : i32
    %while3A_31 = arith.constant 1 : i32
    %while3A_32 = arith.divsi %while3A_29, %while3A_31 : i32
    %while3A_33 = arith.muli %while3A_32, %while3A_31 : i32
    %while3A_34 = arith.addi %while3A_28, %while3A_33 : i32
    %while3A_35 = arith.constant 1 : i32
    scf.for %while3A_38 = %while3A_28 to %while3A_34 step %while3A_35  : i32 {
      %mul3A_39 = arith.constant 48 : i32
      %mul3A_40 = arith.muli %while3A_38, %mul3A_39 : i32
      %add3A_41 = arith.addi %mul3A_4, %mul3A_40 : i32
      %mul3A_42 = arith.constant 48 : i32
      %mul3A_43 = arith.muli %while3A_38, %mul3A_42 : i32
      %sub3A_44 = arith.subi %min3A, %mul3A_43 : i32
      %min3A_45 = arith.constant 48 : i32
      %min3A_46 = arith.minsi %min3A_45, %sub3A_44 : i32
      %sub3A_47 = arith.constant 1 : i32
      %sub3A_48 = arith.subi %min3A_46, %sub3A_47 : i32
      "tpu.region"() ({
        %run_scoped3A = tpu.sem_alloc : memref<!tpu.dma_semaphore, #tpu.memory_space<semaphore_mem>>
        %dma_start3A_125 = arith.constant 0 : i32
        %dma_start3A_126 = tpu.memref_slice %arg2[%add3A_41, %dma_start3A_125] : memref<2560x128xi32, #tpu.memory_space<hbm>> -> memref<48x128xi32, #tpu.memory_space<hbm>>
        %dma_start3A_127 = arith.constant 0 : i32
        %dma_start3A_128 = tpu.memref_slice %arg2[%add3A_41, %dma_start3A_127] : memref<2560x128xi32, #tpu.memory_space<hbm>> -> memref<48x128xi32, #tpu.memory_space<hbm>>
        tpu.enqueue_dma source(%dma_start3A_128 : memref<48x128xi32, #tpu.memory_space<hbm>>) target(%arg7 : memref<48x128xi32, #tpu.memory_space<vmem>>) target_semaphore(%run_scoped3A : memref<!tpu.dma_semaphore, #tpu.memory_space<semaphore_mem>>)
        %dma_wait3A_129 = arith.constant 0 : i32
        %dma_wait3A_130 = tpu.memref_slice %arg2[%add3A_41, %dma_wait3A_129] : memref<2560x128xi32, #tpu.memory_space<hbm>> -> memref<48x128xi32, #tpu.memory_space<hbm>>
        %dma_wait3A_131 = arith.constant 0 : i32
        %dma_wait3A_132 = tpu.memref_slice %arg2[%add3A_41, %dma_wait3A_131] : memref<2560x128xi32, #tpu.memory_space<hbm>> -> memref<48x128xi32, #tpu.memory_space<hbm>>
        tpu.wait_dma2 semaphore(%run_scoped3A : memref<!tpu.dma_semaphore, #tpu.memory_space<semaphore_mem>>) src(%dma_wait3A_132 : memref<48x128xi32, #tpu.memory_space<hbm>>) dst(%arg7 : memref<48x128xi32, #tpu.memory_space<vmem>>)
        tpu.yield
      }) : () -> ()
      "tpu.region"() ({
        %run_scoped3A = tpu.sem_alloc : memref<!tpu.dma_semaphore, #tpu.memory_space<semaphore_mem>>
        %dma_start3A_125 = arith.constant 0 : i32
        %dma_start3A_126 = tpu.memref_slice %arg3[%add3A_41, %dma_start3A_125] : memref<2560x128xi32, #tpu.memory_space<hbm>> -> memref<48x128xi32, #tpu.memory_space<hbm>>
        %dma_start3A_127 = arith.constant 0 : i32
        %dma_start3A_128 = tpu.memref_slice %arg3[%add3A_41, %dma_start3A_127] : memref<2560x128xi32, #tpu.memory_space<hbm>> -> memref<48x128xi32, #tpu.memory_space<hbm>>
        tpu.enqueue_dma source(%dma_start3A_128 : memref<48x128xi32, #tpu.memory_space<hbm>>) target(%arg8 : memref<48x128xi32, #tpu.memory_space<vmem>>) target_semaphore(%run_scoped3A : memref<!tpu.dma_semaphore, #tpu.memory_space<semaphore_mem>>)
        %dma_wait3A_129 = arith.constant 0 : i32
        %dma_wait3A_130 = tpu.memref_slice %arg3[%add3A_41, %dma_wait3A_129] : memref<2560x128xi32, #tpu.memory_space<hbm>> -> memref<48x128xi32, #tpu.memory_space<hbm>>
        %dma_wait3A_131 = arith.constant 0 : i32
        %dma_wait3A_132 = tpu.memref_slice %arg3[%add3A_41, %dma_wait3A_131] : memref<2560x128xi32, #tpu.memory_space<hbm>> -> memref<48x128xi32, #tpu.memory_space<hbm>>
        tpu.wait_dma2 semaphore(%run_scoped3A : memref<!tpu.dma_semaphore, #tpu.memory_space<semaphore_mem>>) src(%dma_wait3A_132 : memref<48x128xi32, #tpu.memory_space<hbm>>) dst(%arg8 : memref<48x128xi32, #tpu.memory_space<vmem>>)
        tpu.yield
      }) : () -> ()
      %dma_start3A = arith.constant 0 : i32
      %dma_start3A_49 = arith.constant 0 : i32
      %dma_start3A_50 = tpu.memref_slice %arg7[%dma_start3A, %dma_start3A_49] : memref<48x128xi32, #tpu.memory_space<vmem>> -> memref<1x128xi32, #tpu.memory_space<vmem>>
      %dma_start3A_51 = tpu.memref_squeeze %dma_start3A_50 : memref<1x128xi32, #tpu.memory_space<vmem>> -> memref<128xi32, #tpu.memory_space<vmem>>
      %dma_start3A_52 = arith.constant 0 : i32
      %dma_start3A_53 = arith.constant 0 : i32
      %dma_start3A_54 = tpu.memref_slice %arg4[%dma_start3A_52, %dma_start3A_53] : memref<10000x128xf32, #tpu.memory_space<hbm>> -> memref<10000x128xf32, #tpu.memory_space<hbm>>
      tpu.enqueue_indirect_dma source(%dma_start3A_54 : memref<10000x128xf32, #tpu.memory_space<hbm>>) target(%arg9 : memref<128x128xf32, #tpu.memory_space<vmem>>) offsets(%dma_start3A_51 : memref<128xi32, #tpu.memory_space<vmem>>) semaphore(%arg12 : memref<!tpu.dma_semaphore, #tpu.memory_space<semaphore_mem>>)
      %min3A_55 = arith.constant 1 : i32
      %min3A_56 = arith.minsi %min3A_55, %sub3A_48 : i32
      %dma_start3A_57 = arith.constant 0 : i32
      %dma_start3A_58 = tpu.memref_slice %arg7[%min3A_56, %dma_start3A_57] : memref<48x128xi32, #tpu.memory_space<vmem>> -> memref<1x128xi32, #tpu.memory_space<vmem>>
      %dma_start3A_59 = tpu.memref_squeeze %dma_start3A_58 : memref<1x128xi32, #tpu.memory_space<vmem>> -> memref<128xi32, #tpu.memory_space<vmem>>
      %dma_start3A_60 = arith.constant 0 : i32
      %dma_start3A_61 = arith.constant 0 : i32
      %dma_start3A_62 = tpu.memref_slice %arg4[%dma_start3A_60, %dma_start3A_61] : memref<10000x128xf32, #tpu.memory_space<hbm>> -> memref<10000x128xf32, #tpu.memory_space<hbm>>
      tpu.enqueue_indirect_dma source(%dma_start3A_62 : memref<10000x128xf32, #tpu.memory_space<hbm>>) target(%arg10 : memref<128x128xf32, #tpu.memory_space<vmem>>) offsets(%dma_start3A_59 : memref<128xi32, #tpu.memory_space<vmem>>) semaphore(%arg13 : memref<!tpu.dma_semaphore, #tpu.memory_space<semaphore_mem>>)
      %jit3A_63 = arith.constant 2 : i32
      %div3A_64 = arith.divsi %min3A_46, %jit3A_63 : i32
      %sign3A_65 = arith.constant 0 : i32
      %sign3A_66 = arith.cmpi sgt, %min3A_46, %sign3A_65 : i32
      %sign3A_67 = arith.extui %sign3A_66 : i1 to i32
      %sign3A_68 = arith.constant 0 : i32
      %sign3A_69 = arith.cmpi slt, %min3A_46, %sign3A_68 : i32
      %sign3A_70 = arith.extui %sign3A_69 : i1 to i32
      %sign3A_71 = arith.subi %sign3A_67, %sign3A_70 : i32
      %sign3A_72 = arith.constant 0 : i32
      %sign3A_73 = arith.cmpi sgt, %jit3A_63, %sign3A_72 : i32
      %sign3A_74 = arith.extui %sign3A_73 : i1 to i32
      %sign3A_75 = arith.constant 0 : i32
      %sign3A_76 = arith.cmpi slt, %jit3A_63, %sign3A_75 : i32
      %sign3A_77 = arith.extui %sign3A_76 : i1 to i32
      %sign3A_78 = arith.subi %sign3A_74, %sign3A_77 : i32
      %ne3A_79 = arith.cmpi ne, %sign3A_71, %sign3A_78 : i32
      %rem3A_80 = arith.remsi %min3A_46, %jit3A_63 : i32
      %ne3A_81 = arith.constant 0 : i32
      %ne3A_82 = arith.cmpi ne, %rem3A_80, %ne3A_81 : i32
      %and3A_83 = arith.andi %ne3A_79, %ne3A_82 : i1
      %sub3A_84 = arith.constant 1 : i32
      %sub3A_85 = arith.subi %div3A_64, %sub3A_84 : i32
      %select_n3A_86 = arith.select %and3A_83, %sub3A_85, %div3A_64 : i32
      %while3A_87 = arith.constant 0 : i32
      %while3A_88 = arith.constant 0 : i32
      %while3A_89 = arith.subi %select_n3A_86, %while3A_88 : i32
      %while3A_90 = arith.addi %while3A_88, %while3A_89 : i32
      %while3A_91 = arith.constant 1 : i32
      %while3A_92 = arith.divsi %while3A_89, %while3A_91 : i32
      %while3A_93 = arith.muli %while3A_92, %while3A_91 : i32
      %while3A_94 = arith.addi %while3A_88, %while3A_93 : i32
      %while3A_95 = arith.constant 1 : i32
      scf.for %while3A_125 = %while3A_88 to %while3A_94 step %while3A_95  : i32 {
        %mul3A_126 = arith.constant 2 : i32
        %mul3A_127 = arith.muli %mul3A_126, %while3A_125 : i32
        %add3A_128 = arith.constant 1 : i32
        %add3A_129 = arith.addi %mul3A_127, %add3A_128 : i32
        %dma_wait3A_130 = arith.constant 0 : i32
        %dma_wait3A_131 = tpu.memref_slice %arg7[%mul3A_127, %dma_wait3A_130] : memref<48x128xi32, #tpu.memory_space<vmem>> -> memref<1x128xi32, #tpu.memory_space<vmem>>
        %dma_wait3A_132 = tpu.memref_squeeze %dma_wait3A_131 : memref<1x128xi32, #tpu.memory_space<vmem>> -> memref<128xi32, #tpu.memory_space<vmem>>
        %dma_wait3A_133 = arith.constant 0 : i32
        %dma_wait3A_134 = arith.constant 0 : i32
        %dma_wait3A_135 = tpu.memref_slice %arg4[%dma_wait3A_133, %dma_wait3A_134] : memref<10000x128xf32, #tpu.memory_space<hbm>> -> memref<10000x128xf32, #tpu.memory_space<hbm>>
        tpu.wait_indirect_dma semaphore(%arg12 : memref<!tpu.dma_semaphore, #tpu.memory_space<semaphore_mem>>) src(%dma_wait3A_135 : memref<10000x128xf32, #tpu.memory_space<hbm>>) dst(%arg9 : memref<128x128xf32, #tpu.memory_space<vmem>>)
        "tpu.region"() ({
          %run_scoped3A = tpu.sem_alloc : memref<!tpu.dma_semaphore, #tpu.memory_space<semaphore_mem>>
          %dma_start3A_160 = arith.constant 0 : i32
          %dma_start3A_161 = tpu.memref_slice %arg8[%mul3A_127, %dma_start3A_160] : memref<48x128xi32, #tpu.memory_space<vmem>> -> memref<1x128xi32, #tpu.memory_space<vmem>>
          %dma_start3A_162 = tpu.memref_squeeze %dma_start3A_161 : memref<1x128xi32, #tpu.memory_space<vmem>> -> memref<128xi32, #tpu.memory_space<vmem>>
          %dma_start3A_163 = arith.constant 0 : i32
          %dma_start3A_164 = arith.constant 0 : i32
          %dma_start3A_165 = tpu.memref_slice %arg11[%dma_start3A_163, %dma_start3A_164] : memref<10112x128xf32, #tpu.memory_space<vmem_shared>> -> memref<10112x128xf32, #tpu.memory_space<vmem_shared>>
          tpu.enqueue_indirect_dma source(%arg9 : memref<128x128xf32, #tpu.memory_space<vmem>>) target(%dma_start3A_165 : memref<10112x128xf32, #tpu.memory_space<vmem_shared>>) offsets(%dma_start3A_162 : memref<128xi32, #tpu.memory_space<vmem>>) semaphore(%run_scoped3A : memref<!tpu.dma_semaphore, #tpu.memory_space<semaphore_mem>>) {add = true}
          %dma_wait3A_166 = arith.constant 0 : i32
          %dma_wait3A_167 = tpu.memref_slice %arg8[%mul3A_127, %dma_wait3A_166] : memref<48x128xi32, #tpu.memory_space<vmem>> -> memref<1x128xi32, #tpu.memory_space<vmem>>
          %dma_wait3A_168 = tpu.memref_squeeze %dma_wait3A_167 : memref<1x128xi32, #tpu.memory_space<vmem>> -> memref<128xi32, #tpu.memory_space<vmem>>
          %dma_wait3A_169 = arith.constant 0 : i32
          %dma_wait3A_170 = arith.constant 0 : i32
          %dma_wait3A_171 = tpu.memref_slice %arg11[%dma_wait3A_169, %dma_wait3A_170] : memref<10112x128xf32, #tpu.memory_space<vmem_shared>> -> memref<10112x128xf32, #tpu.memory_space<vmem_shared>>
          tpu.wait_indirect_dma semaphore(%run_scoped3A : memref<!tpu.dma_semaphore, #tpu.memory_space<semaphore_mem>>) src(%arg9 : memref<128x128xf32, #tpu.memory_space<vmem>>) dst(%dma_wait3A_171 : memref<10112x128xf32, #tpu.memory_space<vmem_shared>>)
          tpu.yield
        }) : () -> ()
        %add3A_136 = arith.constant 2 : i32
        %add3A_137 = arith.addi %mul3A_127, %add3A_136 : i32
        %min3A_138 = arith.minsi %add3A_137, %sub3A_48 : i32
        %dma_start3A_139 = arith.constant 0 : i32
        %dma_start3A_140 = tpu.memref_slice %arg7[%min3A_138, %dma_start3A_139] : memref<48x128xi32, #tpu.memory_space<vmem>> -> memref<1x128xi32, #tpu.memory_space<vmem>>
        %dma_start3A_141 = tpu.memref_squeeze %dma_start3A_140 : memref<1x128xi32, #tpu.memory_space<vmem>> -> memref<128xi32, #tpu.memory_space<vmem>>
        %dma_start3A_142 = arith.constant 0 : i32
        %dma_start3A_143 = arith.constant 0 : i32
        %dma_start3A_144 = tpu.memref_slice %arg4[%dma_start3A_142, %dma_start3A_143] : memref<10000x128xf32, #tpu.memory_space<hbm>> -> memref<10000x128xf32, #tpu.memory_space<hbm>>
        tpu.enqueue_indirect_dma source(%dma_start3A_144 : memref<10000x128xf32, #tpu.memory_space<hbm>>) target(%arg9 : memref<128x128xf32, #tpu.memory_space<vmem>>) offsets(%dma_start3A_141 : memref<128xi32, #tpu.memory_space<vmem>>) semaphore(%arg12 : memref<!tpu.dma_semaphore, #tpu.memory_space<semaphore_mem>>)
        %dma_wait3A_145 = arith.constant 0 : i32
        %dma_wait3A_146 = tpu.memref_slice %arg7[%add3A_129, %dma_wait3A_145] : memref<48x128xi32, #tpu.memory_space<vmem>> -> memref<1x128xi32, #tpu.memory_space<vmem>>
        %dma_wait3A_147 = tpu.memref_squeeze %dma_wait3A_146 : memref<1x128xi32, #tpu.memory_space<vmem>> -> memref<128xi32, #tpu.memory_space<vmem>>
        %dma_wait3A_148 = arith.constant 0 : i32
        %dma_wait3A_149 = arith.constant 0 : i32
        %dma_wait3A_150 = tpu.memref_slice %arg4[%dma_wait3A_148, %dma_wait3A_149] : memref<10000x128xf32, #tpu.memory_space<hbm>> -> memref<10000x128xf32, #tpu.memory_space<hbm>>
        tpu.wait_indirect_dma semaphore(%arg13 : memref<!tpu.dma_semaphore, #tpu.memory_space<semaphore_mem>>) src(%dma_wait3A_150 : memref<10000x128xf32, #tpu.memory_space<hbm>>) dst(%arg10 : memref<128x128xf32, #tpu.memory_space<vmem>>)
        "tpu.region"() ({
          %run_scoped3A = tpu.sem_alloc : memref<!tpu.dma_semaphore, #tpu.memory_space<semaphore_mem>>
          %dma_start3A_160 = arith.constant 0 : i32
          %dma_start3A_161 = tpu.memref_slice %arg8[%add3A_129, %dma_start3A_160] : memref<48x128xi32, #tpu.memory_space<vmem>> -> memref<1x128xi32, #tpu.memory_space<vmem>>
          %dma_start3A_162 = tpu.memref_squeeze %dma_start3A_161 : memref<1x128xi32, #tpu.memory_space<vmem>> -> memref<128xi32, #tpu.memory_space<vmem>>
          %dma_start3A_163 = arith.constant 0 : i32
          %dma_start3A_164 = arith.constant 0 : i32
          %dma_start3A_165 = tpu.memref_slice %arg11[%dma_start3A_163, %dma_start3A_164] : memref<10112x128xf32, #tpu.memory_space<vmem_shared>> -> memref<10112x128xf32, #tpu.memory_space<vmem_shared>>
          tpu.enqueue_indirect_dma source(%arg10 : memref<128x128xf32, #tpu.memory_space<vmem>>) target(%dma_start3A_165 : memref<10112x128xf32, #tpu.memory_space<vmem_shared>>) offsets(%dma_start3A_162 : memref<128xi32, #tpu.memory_space<vmem>>) semaphore(%run_scoped3A : memref<!tpu.dma_semaphore, #tpu.memory_space<semaphore_mem>>) {add = true}
          %dma_wait3A_166 = arith.constant 0 : i32
          %dma_wait3A_167 = tpu.memref_slice %arg8[%add3A_129, %dma_wait3A_166] : memref<48x128xi32, #tpu.memory_space<vmem>> -> memref<1x128xi32, #tpu.memory_space<vmem>>
          %dma_wait3A_168 = tpu.memref_squeeze %dma_wait3A_167 : memref<1x128xi32, #tpu.memory_space<vmem>> -> memref<128xi32, #tpu.memory_space<vmem>>
          %dma_wait3A_169 = arith.constant 0 : i32
          %dma_wait3A_170 = arith.constant 0 : i32
          %dma_wait3A_171 = tpu.memref_slice %arg11[%dma_wait3A_169, %dma_wait3A_170] : memref<10112x128xf32, #tpu.memory_space<vmem_shared>> -> memref<10112x128xf32, #tpu.memory_space<vmem_shared>>
          tpu.wait_indirect_dma semaphore(%run_scoped3A : memref<!tpu.dma_semaphore, #tpu.memory_space<semaphore_mem>>) src(%arg10 : memref<128x128xf32, #tpu.memory_space<vmem>>) dst(%dma_wait3A_171 : memref<10112x128xf32, #tpu.memory_space<vmem_shared>>)
          tpu.yield
        }) : () -> ()
        %add3A_151 = arith.constant 2 : i32
        %add3A_152 = arith.addi %add3A_129, %add3A_151 : i32
        %min3A_153 = arith.minsi %add3A_152, %sub3A_48 : i32
        %dma_start3A_154 = arith.constant 0 : i32
        %dma_start3A_155 = tpu.memref_slice %arg7[%min3A_153, %dma_start3A_154] : memref<48x128xi32, #tpu.memory_space<vmem>> -> memref<1x128xi32, #tpu.memory_space<vmem>>
        %dma_start3A_156 = tpu.memref_squeeze %dma_start3A_155 : memref<1x128xi32, #tpu.memory_space<vmem>> -> memref<128xi32, #tpu.memory_space<vmem>>
        %dma_start3A_157 = arith.constant 0 : i32
        %dma_start3A_158 = arith.constant 0 : i32
        %dma_start3A_159 = tpu.memref_slice %arg4[%dma_start3A_157, %dma_start3A_158] : memref<10000x128xf32, #tpu.memory_space<hbm>> -> memref<10000x128xf32, #tpu.memory_space<hbm>>
        tpu.enqueue_indirect_dma source(%dma_start3A_159 : memref<10000x128xf32, #tpu.memory_space<hbm>>) target(%arg10 : memref<128x128xf32, #tpu.memory_space<vmem>>) offsets(%dma_start3A_156 : memref<128xi32, #tpu.memory_space<vmem>>) semaphore(%arg13 : memref<!tpu.dma_semaphore, #tpu.memory_space<semaphore_mem>>)
      }
      %while3A_96 = arith.constant 1 : i32
      scf.for %while3A_125 = %while3A_94 to %while3A_90 step %while3A_96  : i32 {
        %mul3A_126 = arith.constant 2 : i32
        %mul3A_127 = arith.muli %mul3A_126, %while3A_125 : i32
        %add3A_128 = arith.constant 1 : i32
        %add3A_129 = arith.addi %mul3A_127, %add3A_128 : i32
        %dma_wait3A_130 = arith.constant 0 : i32
        %dma_wait3A_131 = tpu.memref_slice %arg7[%mul3A_127, %dma_wait3A_130] : memref<48x128xi32, #tpu.memory_space<vmem>> -> memref<1x128xi32, #tpu.memory_space<vmem>>
        %dma_wait3A_132 = tpu.memref_squeeze %dma_wait3A_131 : memref<1x128xi32, #tpu.memory_space<vmem>> -> memref<128xi32, #tpu.memory_space<vmem>>
        %dma_wait3A_133 = arith.constant 0 : i32
        %dma_wait3A_134 = arith.constant 0 : i32
        %dma_wait3A_135 = tpu.memref_slice %arg4[%dma_wait3A_133, %dma_wait3A_134] : memref<10000x128xf32, #tpu.memory_space<hbm>> -> memref<10000x128xf32, #tpu.memory_space<hbm>>
        tpu.wait_indirect_dma semaphore(%arg12 : memref<!tpu.dma_semaphore, #tpu.memory_space<semaphore_mem>>) src(%dma_wait3A_135 : memref<10000x128xf32, #tpu.memory_space<hbm>>) dst(%arg9 : memref<128x128xf32, #tpu.memory_space<vmem>>)
        "tpu.region"() ({
          %run_scoped3A = tpu.sem_alloc : memref<!tpu.dma_semaphore, #tpu.memory_space<semaphore_mem>>
          %dma_start3A_160 = arith.constant 0 : i32
          %dma_start3A_161 = tpu.memref_slice %arg8[%mul3A_127, %dma_start3A_160] : memref<48x128xi32, #tpu.memory_space<vmem>> -> memref<1x128xi32, #tpu.memory_space<vmem>>
          %dma_start3A_162 = tpu.memref_squeeze %dma_start3A_161 : memref<1x128xi32, #tpu.memory_space<vmem>> -> memref<128xi32, #tpu.memory_space<vmem>>
          %dma_start3A_163 = arith.constant 0 : i32
          %dma_start3A_164 = arith.constant 0 : i32
          %dma_start3A_165 = tpu.memref_slice %arg11[%dma_start3A_163, %dma_start3A_164] : memref<10112x128xf32, #tpu.memory_space<vmem_shared>> -> memref<10112x128xf32, #tpu.memory_space<vmem_shared>>
          tpu.enqueue_indirect_dma source(%arg9 : memref<128x128xf32, #tpu.memory_space<vmem>>) target(%dma_start3A_165 : memref<10112x128xf32, #tpu.memory_space<vmem_shared>>) offsets(%dma_start3A_162 : memref<128xi32, #tpu.memory_space<vmem>>) semaphore(%run_scoped3A : memref<!tpu.dma_semaphore, #tpu.memory_space<semaphore_mem>>) {add = true}
          %dma_wait3A_166 = arith.constant 0 : i32
          %dma_wait3A_167 = tpu.memref_slice %arg8[%mul3A_127, %dma_wait3A_166] : memref<48x128xi32, #tpu.memory_space<vmem>> -> memref<1x128xi32, #tpu.memory_space<vmem>>
          %dma_wait3A_168 = tpu.memref_squeeze %dma_wait3A_167 : memref<1x128xi32, #tpu.memory_space<vmem>> -> memref<128xi32, #tpu.memory_space<vmem>>
          %dma_wait3A_169 = arith.constant 0 : i32
          %dma_wait3A_170 = arith.constant 0 : i32
          %dma_wait3A_171 = tpu.memref_slice %arg11[%dma_wait3A_169, %dma_wait3A_170] : memref<10112x128xf32, #tpu.memory_space<vmem_shared>> -> memref<10112x128xf32, #tpu.memory_space<vmem_shared>>
          tpu.wait_indirect_dma semaphore(%run_scoped3A : memref<!tpu.dma_semaphore, #tpu.memory_space<semaphore_mem>>) src(%arg9 : memref<128x128xf32, #tpu.memory_space<vmem>>) dst(%dma_wait3A_171 : memref<10112x128xf32, #tpu.memory_space<vmem_shared>>)
          tpu.yield
        }) : () -> ()
        %add3A_136 = arith.constant 2 : i32
        %add3A_137 = arith.addi %mul3A_127, %add3A_136 : i32
        %min3A_138 = arith.minsi %add3A_137, %sub3A_48 : i32
        %dma_start3A_139 = arith.constant 0 : i32
        %dma_start3A_140 = tpu.memref_slice %arg7[%min3A_138, %dma_start3A_139] : memref<48x128xi32, #tpu.memory_space<vmem>> -> memref<1x128xi32, #tpu.memory_space<vmem>>
        %dma_start3A_141 = tpu.memref_squeeze %dma_start3A_140 : memref<1x128xi32, #tpu.memory_space<vmem>> -> memref<128xi32, #tpu.memory_space<vmem>>
        %dma_start3A_142 = arith.constant 0 : i32
        %dma_start3A_143 = arith.constant 0 : i32
        %dma_start3A_144 = tpu.memref_slice %arg4[%dma_start3A_142, %dma_start3A_143] : memref<10000x128xf32, #tpu.memory_space<hbm>> -> memref<10000x128xf32, #tpu.memory_space<hbm>>
        tpu.enqueue_indirect_dma source(%dma_start3A_144 : memref<10000x128xf32, #tpu.memory_space<hbm>>) target(%arg9 : memref<128x128xf32, #tpu.memory_space<vmem>>) offsets(%dma_start3A_141 : memref<128xi32, #tpu.memory_space<vmem>>) semaphore(%arg12 : memref<!tpu.dma_semaphore, #tpu.memory_space<semaphore_mem>>)
        %dma_wait3A_145 = arith.constant 0 : i32
        %dma_wait3A_146 = tpu.memref_slice %arg7[%add3A_129, %dma_wait3A_145] : memref<48x128xi32, #tpu.memory_space<vmem>> -> memref<1x128xi32, #tpu.memory_space<vmem>>
        %dma_wait3A_147 = tpu.memref_squeeze %dma_wait3A_146 : memref<1x128xi32, #tpu.memory_space<vmem>> -> memref<128xi32, #tpu.memory_space<vmem>>
        %dma_wait3A_148 = arith.constant 0 : i32
        %dma_wait3A_149 = arith.constant 0 : i32
        %dma_wait3A_150 = tpu.memref_slice %arg4[%dma_wait3A_148, %dma_wait3A_149] : memref<10000x128xf32, #tpu.memory_space<hbm>> -> memref<10000x128xf32, #tpu.memory_space<hbm>>
        tpu.wait_indirect_dma semaphore(%arg13 : memref<!tpu.dma_semaphore, #tpu.memory_space<semaphore_mem>>) src(%dma_wait3A_150 : memref<10000x128xf32, #tpu.memory_space<hbm>>) dst(%arg10 : memref<128x128xf32, #tpu.memory_space<vmem>>)
        "tpu.region"() ({
          %run_scoped3A = tpu.sem_alloc : memref<!tpu.dma_semaphore, #tpu.memory_space<semaphore_mem>>
          %dma_start3A_160 = arith.constant 0 : i32
          %dma_start3A_161 = tpu.memref_slice %arg8[%add3A_129, %dma_start3A_160] : memref<48x128xi32, #tpu.memory_space<vmem>> -> memref<1x128xi32, #tpu.memory_space<vmem>>
          %dma_start3A_162 = tpu.memref_squeeze %dma_start3A_161 : memref<1x128xi32, #tpu.memory_space<vmem>> -> memref<128xi32, #tpu.memory_space<vmem>>
          %dma_start3A_163 = arith.constant 0 : i32
          %dma_start3A_164 = arith.constant 0 : i32
          %dma_start3A_165 = tpu.memref_slice %arg11[%dma_start3A_163, %dma_start3A_164] : memref<10112x128xf32, #tpu.memory_space<vmem_shared>> -> memref<10112x128xf32, #tpu.memory_space<vmem_shared>>
          tpu.enqueue_indirect_dma source(%arg10 : memref<128x128xf32, #tpu.memory_space<vmem>>) target(%dma_start3A_165 : memref<10112x128xf32, #tpu.memory_space<vmem_shared>>) offsets(%dma_start3A_162 : memref<128xi32, #tpu.memory_space<vmem>>) semaphore(%run_scoped3A : memref<!tpu.dma_semaphore, #tpu.memory_space<semaphore_mem>>) {add = true}
          %dma_wait3A_166 = arith.constant 0 : i32
          %dma_wait3A_167 = tpu.memref_slice %arg8[%add3A_129, %dma_wait3A_166] : memref<48x128xi32, #tpu.memory_space<vmem>> -> memref<1x128xi32, #tpu.memory_space<vmem>>
          %dma_wait3A_168 = tpu.memref_squeeze %dma_wait3A_167 : memref<1x128xi32, #tpu.memory_space<vmem>> -> memref<128xi32, #tpu.memory_space<vmem>>
          %dma_wait3A_169 = arith.constant 0 : i32
          %dma_wait3A_170 = arith.constant 0 : i32
          %dma_wait3A_171 = tpu.memref_slice %arg11[%dma_wait3A_169, %dma_wait3A_170] : memref<10112x128xf32, #tpu.memory_space<vmem_shared>> -> memref<10112x128xf32, #tpu.memory_space<vmem_shared>>
          tpu.wait_indirect_dma semaphore(%run_scoped3A : memref<!tpu.dma_semaphore, #tpu.memory_space<semaphore_mem>>) src(%arg10 : memref<128x128xf32, #tpu.memory_space<vmem>>) dst(%dma_wait3A_171 : memref<10112x128xf32, #tpu.memory_space<vmem_shared>>)
          tpu.yield
        }) : () -> ()
        %add3A_151 = arith.constant 2 : i32
        %add3A_152 = arith.addi %add3A_129, %add3A_151 : i32
        %min3A_153 = arith.minsi %add3A_152, %sub3A_48 : i32
        %dma_start3A_154 = arith.constant 0 : i32
        %dma_start3A_155 = tpu.memref_slice %arg7[%min3A_153, %dma_start3A_154] : memref<48x128xi32, #tpu.memory_space<vmem>> -> memref<1x128xi32, #tpu.memory_space<vmem>>
        %dma_start3A_156 = tpu.memref_squeeze %dma_start3A_155 : memref<1x128xi32, #tpu.memory_space<vmem>> -> memref<128xi32, #tpu.memory_space<vmem>>
        %dma_start3A_157 = arith.constant 0 : i32
        %dma_start3A_158 = arith.constant 0 : i32
        %dma_start3A_159 = tpu.memref_slice %arg4[%dma_start3A_157, %dma_start3A_158] : memref<10000x128xf32, #tpu.memory_space<hbm>> -> memref<10000x128xf32, #tpu.memory_space<hbm>>
        tpu.enqueue_indirect_dma source(%dma_start3A_159 : memref<10000x128xf32, #tpu.memory_space<hbm>>) target(%arg10 : memref<128x128xf32, #tpu.memory_space<vmem>>) offsets(%dma_start3A_156 : memref<128xi32, #tpu.memory_space<vmem>>) semaphore(%arg13 : memref<!tpu.dma_semaphore, #tpu.memory_space<semaphore_mem>>)
      }
      %dma_wait3A = arith.constant 0 : i32
      %dma_wait3A_97 = tpu.memref_slice %arg7[%sub3A_48, %dma_wait3A] : memref<48x128xi32, #tpu.memory_space<vmem>> -> memref<1x128xi32, #tpu.memory_space<vmem>>
      %dma_wait3A_98 = tpu.memref_squeeze %dma_wait3A_97 : memref<1x128xi32, #tpu.memory_space<vmem>> -> memref<128xi32, #tpu.memory_space<vmem>>
      %dma_wait3A_99 = arith.constant 0 : i32
      %dma_wait3A_100 = arith.constant 0 : i32
      %dma_wait3A_101 = tpu.memref_slice %arg4[%dma_wait3A_99, %dma_wait3A_100] : memref<10000x128xf32, #tpu.memory_space<hbm>> -> memref<10000x128xf32, #tpu.memory_space<hbm>>
      tpu.wait_indirect_dma semaphore(%arg12 : memref<!tpu.dma_semaphore, #tpu.memory_space<semaphore_mem>>) src(%dma_wait3A_101 : memref<10000x128xf32, #tpu.memory_space<hbm>>) dst(%arg9 : memref<128x128xf32, #tpu.memory_space<vmem>>)
      %jit3A_102 = arith.constant 2 : i32
      %eq3A = arith.constant 0 : i32
      %eq3A_103 = arith.cmpi eq, %jit3A_102, %eq3A : i32
      %jit3A_104 = arith.constant 1 : i32
      %select_n3A_105 = arith.select %eq3A_103, %jit3A_104, %jit3A_102 : i32
      %rem3A_106 = arith.remsi %min3A_46, %select_n3A_105 : i32
      %ne3A_107 = arith.constant 0 : i32
      %ne3A_108 = arith.cmpi ne, %rem3A_106, %ne3A_107 : i32
      %lt3A = arith.constant 0 : i32
      %lt3A_109 = arith.cmpi slt, %rem3A_106, %lt3A : i32
      %lt3A_110 = arith.constant 0 : i32
      %lt3A_111 = arith.cmpi slt, %select_n3A_105, %lt3A_110 : i32
      %ne3A_112 = arith.xori %lt3A_109, %lt3A_111 : i1
      %and3A_113 = arith.andi %ne3A_112, %ne3A_108 : i1
      %add3A_114 = arith.addi %rem3A_106, %select_n3A_105 : i32
      %select_n3A_115 = arith.select %and3A_113, %add3A_114, %rem3A_106 : i32
      %eq3A_116 = arith.constant 1 : i32
      %eq3A_117 = arith.cmpi eq, %select_n3A_115, %eq3A_116 : i32
      %convert_element_type3A = arith.extui %eq3A_117 : i1 to i32
      %cond3A = arith.constant 0 : i32
      %cond3A_118 = arith.cmpi ne, %convert_element_type3A, %cond3A : i32
      scf.if %cond3A_118 {
        "tpu.region"() ({
          %run_scoped3A = tpu.sem_alloc : memref<!tpu.dma_semaphore, #tpu.memory_space<semaphore_mem>>
          %dma_start3A_125 = arith.constant 0 : i32
          %dma_start3A_126 = tpu.memref_slice %arg8[%sub3A_48, %dma_start3A_125] : memref<48x128xi32, #tpu.memory_space<vmem>> -> memref<1x128xi32, #tpu.memory_space<vmem>>
          %dma_start3A_127 = tpu.memref_squeeze %dma_start3A_126 : memref<1x128xi32, #tpu.memory_space<vmem>> -> memref<128xi32, #tpu.memory_space<vmem>>
          %dma_start3A_128 = arith.constant 0 : i32
          %dma_start3A_129 = arith.constant 0 : i32
          %dma_start3A_130 = tpu.memref_slice %arg11[%dma_start3A_128, %dma_start3A_129] : memref<10112x128xf32, #tpu.memory_space<vmem_shared>> -> memref<10112x128xf32, #tpu.memory_space<vmem_shared>>
          tpu.enqueue_indirect_dma source(%arg9 : memref<128x128xf32, #tpu.memory_space<vmem>>) target(%dma_start3A_130 : memref<10112x128xf32, #tpu.memory_space<vmem_shared>>) offsets(%dma_start3A_127 : memref<128xi32, #tpu.memory_space<vmem>>) semaphore(%run_scoped3A : memref<!tpu.dma_semaphore, #tpu.memory_space<semaphore_mem>>) {add = true}
          %dma_wait3A_131 = arith.constant 0 : i32
          %dma_wait3A_132 = tpu.memref_slice %arg8[%sub3A_48, %dma_wait3A_131] : memref<48x128xi32, #tpu.memory_space<vmem>> -> memref<1x128xi32, #tpu.memory_space<vmem>>
          %dma_wait3A_133 = tpu.memref_squeeze %dma_wait3A_132 : memref<1x128xi32, #tpu.memory_space<vmem>> -> memref<128xi32, #tpu.memory_space<vmem>>
          %dma_wait3A_134 = arith.constant 0 : i32
          %dma_wait3A_135 = arith.constant 0 : i32
          %dma_wait3A_136 = tpu.memref_slice %arg11[%dma_wait3A_134, %dma_wait3A_135] : memref<10112x128xf32, #tpu.memory_space<vmem_shared>> -> memref<10112x128xf32, #tpu.memory_space<vmem_shared>>
          tpu.wait_indirect_dma semaphore(%run_scoped3A : memref<!tpu.dma_semaphore, #tpu.memory_space<semaphore_mem>>) src(%arg9 : memref<128x128xf32, #tpu.memory_space<vmem>>) dst(%dma_wait3A_136 : memref<10112x128xf32, #tpu.memory_space<vmem_shared>>)
          tpu.yield
        }) : () -> ()
      } else {
      }
      %dma_wait3A_119 = arith.constant 0 : i32
      %dma_wait3A_120 = tpu.memref_slice %arg7[%sub3A_48, %dma_wait3A_119] : memref<48x128xi32, #tpu.memory_space<vmem>> -> memref<1x128xi32, #tpu.memory_space<vmem>>
      %dma_wait3A_121 = tpu.memref_squeeze %dma_wait3A_120 : memref<1x128xi32, #tpu.memory_space<vmem>> -> memref<128xi32, #tpu.memory_space<vmem>>
      %dma_wait3A_122 = arith.constant 0 : i32
      %dma_wait3A_123 = arith.constant 0 : i32
      %dma_wait3A_124 = tpu.memref_slice %arg4[%dma_wait3A_122, %dma_wait3A_123] : memref<10000x128xf32, #tpu.memory_space<hbm>> -> memref<10000x128xf32, #tpu.memory_space<hbm>>
      tpu.wait_indirect_dma semaphore(%arg13 : memref<!tpu.dma_semaphore, #tpu.memory_space<semaphore_mem>>) src(%dma_wait3A_124 : memref<10000x128xf32, #tpu.memory_space<hbm>>) dst(%arg10 : memref<128x128xf32, #tpu.memory_space<vmem>>)
    }
    %while3A_36 = arith.constant 1 : i32
    scf.for %while3A_38 = %while3A_34 to %while3A_30 step %while3A_36  : i32 {
      %mul3A_39 = arith.constant 48 : i32
      %mul3A_40 = arith.muli %while3A_38, %mul3A_39 : i32
      %add3A_41 = arith.addi %mul3A_4, %mul3A_40 : i32
      %mul3A_42 = arith.constant 48 : i32
      %mul3A_43 = arith.muli %while3A_38, %mul3A_42 : i32
      %sub3A_44 = arith.subi %min3A, %mul3A_43 : i32
      %min3A_45 = arith.constant 48 : i32
      %min3A_46 = arith.minsi %min3A_45, %sub3A_44 : i32
      %sub3A_47 = arith.constant 1 : i32
      %sub3A_48 = arith.subi %min3A_46, %sub3A_47 : i32
      "tpu.region"() ({
        %run_scoped3A = tpu.sem_alloc : memref<!tpu.dma_semaphore, #tpu.memory_space<semaphore_mem>>
        %dma_start3A_125 = arith.constant 0 : i32
        %dma_start3A_126 = tpu.memref_slice %arg2[%add3A_41, %dma_start3A_125] : memref<2560x128xi32, #tpu.memory_space<hbm>> -> memref<48x128xi32, #tpu.memory_space<hbm>>
        %dma_start3A_127 = arith.constant 0 : i32
        %dma_start3A_128 = tpu.memref_slice %arg2[%add3A_41, %dma_start3A_127] : memref<2560x128xi32, #tpu.memory_space<hbm>> -> memref<48x128xi32, #tpu.memory_space<hbm>>
        tpu.enqueue_dma source(%dma_start3A_128 : memref<48x128xi32, #tpu.memory_space<hbm>>) target(%arg7 : memref<48x128xi32, #tpu.memory_space<vmem>>) target_semaphore(%run_scoped3A : memref<!tpu.dma_semaphore, #tpu.memory_space<semaphore_mem>>)
        %dma_wait3A_129 = arith.constant 0 : i32
        %dma_wait3A_130 = tpu.memref_slice %arg2[%add3A_41, %dma_wait3A_129] : memref<2560x128xi32, #tpu.memory_space<hbm>> -> memref<48x128xi32, #tpu.memory_space<hbm>>
        %dma_wait3A_131 = arith.constant 0 : i32
        %dma_wait3A_132 = tpu.memref_slice %arg2[%add3A_41, %dma_wait3A_131] : memref<2560x128xi32, #tpu.memory_space<hbm>> -> memref<48x128xi32, #tpu.memory_space<hbm>>
        tpu.wait_dma2 semaphore(%run_scoped3A : memref<!tpu.dma_semaphore, #tpu.memory_space<semaphore_mem>>) src(%dma_wait3A_132 : memref<48x128xi32, #tpu.memory_space<hbm>>) dst(%arg7 : memref<48x128xi32, #tpu.memory_space<vmem>>)
        tpu.yield
      }) : () -> ()
      "tpu.region"() ({
        %run_scoped3A = tpu.sem_alloc : memref<!tpu.dma_semaphore, #tpu.memory_space<semaphore_mem>>
        %dma_start3A_125 = arith.constant 0 : i32
        %dma_start3A_126 = tpu.memref_slice %arg3[%add3A_41, %dma_start3A_125] : memref<2560x128xi32, #tpu.memory_space<hbm>> -> memref<48x128xi32, #tpu.memory_space<hbm>>
        %dma_start3A_127 = arith.constant 0 : i32
        %dma_start3A_128 = tpu.memref_slice %arg3[%add3A_41, %dma_start3A_127] : memref<2560x128xi32, #tpu.memory_space<hbm>> -> memref<48x128xi32, #tpu.memory_space<hbm>>
        tpu.enqueue_dma source(%dma_start3A_128 : memref<48x128xi32, #tpu.memory_space<hbm>>) target(%arg8 : memref<48x128xi32, #tpu.memory_space<vmem>>) target_semaphore(%run_scoped3A : memref<!tpu.dma_semaphore, #tpu.memory_space<semaphore_mem>>)
        %dma_wait3A_129 = arith.constant 0 : i32
        %dma_wait3A_130 = tpu.memref_slice %arg3[%add3A_41, %dma_wait3A_129] : memref<2560x128xi32, #tpu.memory_space<hbm>> -> memref<48x128xi32, #tpu.memory_space<hbm>>
        %dma_wait3A_131 = arith.constant 0 : i32
        %dma_wait3A_132 = tpu.memref_slice %arg3[%add3A_41, %dma_wait3A_131] : memref<2560x128xi32, #tpu.memory_space<hbm>> -> memref<48x128xi32, #tpu.memory_space<hbm>>
        tpu.wait_dma2 semaphore(%run_scoped3A : memref<!tpu.dma_semaphore, #tpu.memory_space<semaphore_mem>>) src(%dma_wait3A_132 : memref<48x128xi32, #tpu.memory_space<hbm>>) dst(%arg8 : memref<48x128xi32, #tpu.memory_space<vmem>>)
        tpu.yield
      }) : () -> ()
      %dma_start3A = arith.constant 0 : i32
      %dma_start3A_49 = arith.constant 0 : i32
      %dma_start3A_50 = tpu.memref_slice %arg7[%dma_start3A, %dma_start3A_49] : memref<48x128xi32, #tpu.memory_space<vmem>> -> memref<1x128xi32, #tpu.memory_space<vmem>>
      %dma_start3A_51 = tpu.memref_squeeze %dma_start3A_50 : memref<1x128xi32, #tpu.memory_space<vmem>> -> memref<128xi32, #tpu.memory_space<vmem>>
      %dma_start3A_52 = arith.constant 0 : i32
      %dma_start3A_53 = arith.constant 0 : i32
      %dma_start3A_54 = tpu.memref_slice %arg4[%dma_start3A_52, %dma_start3A_53] : memref<10000x128xf32, #tpu.memory_space<hbm>> -> memref<10000x128xf32, #tpu.memory_space<hbm>>
      tpu.enqueue_indirect_dma source(%dma_start3A_54 : memref<10000x128xf32, #tpu.memory_space<hbm>>) target(%arg9 : memref<128x128xf32, #tpu.memory_space<vmem>>) offsets(%dma_start3A_51 : memref<128xi32, #tpu.memory_space<vmem>>) semaphore(%arg12 : memref<!tpu.dma_semaphore, #tpu.memory_space<semaphore_mem>>)
      %min3A_55 = arith.constant 1 : i32
      %min3A_56 = arith.minsi %min3A_55, %sub3A_48 : i32
      %dma_start3A_57 = arith.constant 0 : i32
      %dma_start3A_58 = tpu.memref_slice %arg7[%min3A_56, %dma_start3A_57] : memref<48x128xi32, #tpu.memory_space<vmem>> -> memref<1x128xi32, #tpu.memory_space<vmem>>
      %dma_start3A_59 = tpu.memref_squeeze %dma_start3A_58 : memref<1x128xi32, #tpu.memory_space<vmem>> -> memref<128xi32, #tpu.memory_space<vmem>>
      %dma_start3A_60 = arith.constant 0 : i32
      %dma_start3A_61 = arith.constant 0 : i32
      %dma_start3A_62 = tpu.memref_slice %arg4[%dma_start3A_60, %dma_start3A_61] : memref<10000x128xf32, #tpu.memory_space<hbm>> -> memref<10000x128xf32, #tpu.memory_space<hbm>>
      tpu.enqueue_indirect_dma source(%dma_start3A_62 : memref<10000x128xf32, #tpu.memory_space<hbm>>) target(%arg10 : memref<128x128xf32, #tpu.memory_space<vmem>>) offsets(%dma_start3A_59 : memref<128xi32, #tpu.memory_space<vmem>>) semaphore(%arg13 : memref<!tpu.dma_semaphore, #tpu.memory_space<semaphore_mem>>)
      %jit3A_63 = arith.constant 2 : i32
      %div3A_64 = arith.divsi %min3A_46, %jit3A_63 : i32
      %sign3A_65 = arith.constant 0 : i32
      %sign3A_66 = arith.cmpi sgt, %min3A_46, %sign3A_65 : i32
      %sign3A_67 = arith.extui %sign3A_66 : i1 to i32
      %sign3A_68 = arith.constant 0 : i32
      %sign3A_69 = arith.cmpi slt, %min3A_46, %sign3A_68 : i32
      %sign3A_70 = arith.extui %sign3A_69 : i1 to i32
      %sign3A_71 = arith.subi %sign3A_67, %sign3A_70 : i32
      %sign3A_72 = arith.constant 0 : i32
      %sign3A_73 = arith.cmpi sgt, %jit3A_63, %sign3A_72 : i32
      %sign3A_74 = arith.extui %sign3A_73 : i1 to i32
      %sign3A_75 = arith.constant 0 : i32
      %sign3A_76 = arith.cmpi slt, %jit3A_63, %sign3A_75 : i32
      %sign3A_77 = arith.extui %sign3A_76 : i1 to i32
      %sign3A_78 = arith.subi %sign3A_74, %sign3A_77 : i32
      %ne3A_79 = arith.cmpi ne, %sign3A_71, %sign3A_78 : i32
      %rem3A_80 = arith.remsi %min3A_46, %jit3A_63 : i32
      %ne3A_81 = arith.constant 0 : i32
      %ne3A_82 = arith.cmpi ne, %rem3A_80, %ne3A_81 : i32
      %and3A_83 = arith.andi %ne3A_79, %ne3A_82 : i1
      %sub3A_84 = arith.constant 1 : i32
      %sub3A_85 = arith.subi %div3A_64, %sub3A_84 : i32
      %select_n3A_86 = arith.select %and3A_83, %sub3A_85, %div3A_64 : i32
      %while3A_87 = arith.constant 0 : i32
      %while3A_88 = arith.constant 0 : i32
      %while3A_89 = arith.subi %select_n3A_86, %while3A_88 : i32
      %while3A_90 = arith.addi %while3A_88, %while3A_89 : i32
      %while3A_91 = arith.constant 1 : i32
      %while3A_92 = arith.divsi %while3A_89, %while3A_91 : i32
      %while3A_93 = arith.muli %while3A_92, %while3A_91 : i32
      %while3A_94 = arith.addi %while3A_88, %while3A_93 : i32
      %while3A_95 = arith.constant 1 : i32
      scf.for %while3A_125 = %while3A_88 to %while3A_94 step %while3A_95  : i32 {
        %mul3A_126 = arith.constant 2 : i32
        %mul3A_127 = arith.muli %mul3A_126, %while3A_125 : i32
        %add3A_128 = arith.constant 1 : i32
        %add3A_129 = arith.addi %mul3A_127, %add3A_128 : i32
        %dma_wait3A_130 = arith.constant 0 : i32
        %dma_wait3A_131 = tpu.memref_slice %arg7[%mul3A_127, %dma_wait3A_130] : memref<48x128xi32, #tpu.memory_space<vmem>> -> memref<1x128xi32, #tpu.memory_space<vmem>>
        %dma_wait3A_132 = tpu.memref_squeeze %dma_wait3A_131 : memref<1x128xi32, #tpu.memory_space<vmem>> -> memref<128xi32, #tpu.memory_space<vmem>>
        %dma_wait3A_133 = arith.constant 0 : i32
        %dma_wait3A_134 = arith.constant 0 : i32
        %dma_wait3A_135 = tpu.memref_slice %arg4[%dma_wait3A_133, %dma_wait3A_134] : memref<10000x128xf32, #tpu.memory_space<hbm>> -> memref<10000x128xf32, #tpu.memory_space<hbm>>
        tpu.wait_indirect_dma semaphore(%arg12 : memref<!tpu.dma_semaphore, #tpu.memory_space<semaphore_mem>>) src(%dma_wait3A_135 : memref<10000x128xf32, #tpu.memory_space<hbm>>) dst(%arg9 : memref<128x128xf32, #tpu.memory_space<vmem>>)
        "tpu.region"() ({
          %run_scoped3A = tpu.sem_alloc : memref<!tpu.dma_semaphore, #tpu.memory_space<semaphore_mem>>
          %dma_start3A_160 = arith.constant 0 : i32
          %dma_start3A_161 = tpu.memref_slice %arg8[%mul3A_127, %dma_start3A_160] : memref<48x128xi32, #tpu.memory_space<vmem>> -> memref<1x128xi32, #tpu.memory_space<vmem>>
          %dma_start3A_162 = tpu.memref_squeeze %dma_start3A_161 : memref<1x128xi32, #tpu.memory_space<vmem>> -> memref<128xi32, #tpu.memory_space<vmem>>
          %dma_start3A_163 = arith.constant 0 : i32
          %dma_start3A_164 = arith.constant 0 : i32
          %dma_start3A_165 = tpu.memref_slice %arg11[%dma_start3A_163, %dma_start3A_164] : memref<10112x128xf32, #tpu.memory_space<vmem_shared>> -> memref<10112x128xf32, #tpu.memory_space<vmem_shared>>
          tpu.enqueue_indirect_dma source(%arg9 : memref<128x128xf32, #tpu.memory_space<vmem>>) target(%dma_start3A_165 : memref<10112x128xf32, #tpu.memory_space<vmem_shared>>) offsets(%dma_start3A_162 : memref<128xi32, #tpu.memory_space<vmem>>) semaphore(%run_scoped3A : memref<!tpu.dma_semaphore, #tpu.memory_space<semaphore_mem>>) {add = true}
          %dma_wait3A_166 = arith.constant 0 : i32
          %dma_wait3A_167 = tpu.memref_slice %arg8[%mul3A_127, %dma_wait3A_166] : memref<48x128xi32, #tpu.memory_space<vmem>> -> memref<1x128xi32, #tpu.memory_space<vmem>>
          %dma_wait3A_168 = tpu.memref_squeeze %dma_wait3A_167 : memref<1x128xi32, #tpu.memory_space<vmem>> -> memref<128xi32, #tpu.memory_space<vmem>>
          %dma_wait3A_169 = arith.constant 0 : i32
          %dma_wait3A_170 = arith.constant 0 : i32
          %dma_wait3A_171 = tpu.memref_slice %arg11[%dma_wait3A_169, %dma_wait3A_170] : memref<10112x128xf32, #tpu.memory_space<vmem_shared>> -> memref<10112x128xf32, #tpu.memory_space<vmem_shared>>
          tpu.wait_indirect_dma semaphore(%run_scoped3A : memref<!tpu.dma_semaphore, #tpu.memory_space<semaphore_mem>>) src(%arg9 : memref<128x128xf32, #tpu.memory_space<vmem>>) dst(%dma_wait3A_171 : memref<10112x128xf32, #tpu.memory_space<vmem_shared>>)
          tpu.yield
        }) : () -> ()
        %add3A_136 = arith.constant 2 : i32
        %add3A_137 = arith.addi %mul3A_127, %add3A_136 : i32
        %min3A_138 = arith.minsi %add3A_137, %sub3A_48 : i32
        %dma_start3A_139 = arith.constant 0 : i32
        %dma_start3A_140 = tpu.memref_slice %arg7[%min3A_138, %dma_start3A_139] : memref<48x128xi32, #tpu.memory_space<vmem>> -> memref<1x128xi32, #tpu.memory_space<vmem>>
        %dma_start3A_141 = tpu.memref_squeeze %dma_start3A_140 : memref<1x128xi32, #tpu.memory_space<vmem>> -> memref<128xi32, #tpu.memory_space<vmem>>
        %dma_start3A_142 = arith.constant 0 : i32
        %dma_start3A_143 = arith.constant 0 : i32
        %dma_start3A_144 = tpu.memref_slice %arg4[%dma_start3A_142, %dma_start3A_143] : memref<10000x128xf32, #tpu.memory_space<hbm>> -> memref<10000x128xf32, #tpu.memory_space<hbm>>
        tpu.enqueue_indirect_dma source(%dma_start3A_144 : memref<10000x128xf32, #tpu.memory_space<hbm>>) target(%arg9 : memref<128x128xf32, #tpu.memory_space<vmem>>) offsets(%dma_start3A_141 : memref<128xi32, #tpu.memory_space<vmem>>) semaphore(%arg12 : memref<!tpu.dma_semaphore, #tpu.memory_space<semaphore_mem>>)
        %dma_wait3A_145 = arith.constant 0 : i32
        %dma_wait3A_146 = tpu.memref_slice %arg7[%add3A_129, %dma_wait3A_145] : memref<48x128xi32, #tpu.memory_space<vmem>> -> memref<1x128xi32, #tpu.memory_space<vmem>>
        %dma_wait3A_147 = tpu.memref_squeeze %dma_wait3A_146 : memref<1x128xi32, #tpu.memory_space<vmem>> -> memref<128xi32, #tpu.memory_space<vmem>>
        %dma_wait3A_148 = arith.constant 0 : i32
        %dma_wait3A_149 = arith.constant 0 : i32
        %dma_wait3A_150 = tpu.memref_slice %arg4[%dma_wait3A_148, %dma_wait3A_149] : memref<10000x128xf32, #tpu.memory_space<hbm>> -> memref<10000x128xf32, #tpu.memory_space<hbm>>
        tpu.wait_indirect_dma semaphore(%arg13 : memref<!tpu.dma_semaphore, #tpu.memory_space<semaphore_mem>>) src(%dma_wait3A_150 : memref<10000x128xf32, #tpu.memory_space<hbm>>) dst(%arg10 : memref<128x128xf32, #tpu.memory_space<vmem>>)
        "tpu.region"() ({
          %run_scoped3A = tpu.sem_alloc : memref<!tpu.dma_semaphore, #tpu.memory_space<semaphore_mem>>
          %dma_start3A_160 = arith.constant 0 : i32
          %dma_start3A_161 = tpu.memref_slice %arg8[%add3A_129, %dma_start3A_160] : memref<48x128xi32, #tpu.memory_space<vmem>> -> memref<1x128xi32, #tpu.memory_space<vmem>>
          %dma_start3A_162 = tpu.memref_squeeze %dma_start3A_161 : memref<1x128xi32, #tpu.memory_space<vmem>> -> memref<128xi32, #tpu.memory_space<vmem>>
          %dma_start3A_163 = arith.constant 0 : i32
          %dma_start3A_164 = arith.constant 0 : i32
          %dma_start3A_165 = tpu.memref_slice %arg11[%dma_start3A_163, %dma_start3A_164] : memref<10112x128xf32, #tpu.memory_space<vmem_shared>> -> memref<10112x128xf32, #tpu.memory_space<vmem_shared>>
          tpu.enqueue_indirect_dma source(%arg10 : memref<128x128xf32, #tpu.memory_space<vmem>>) target(%dma_start3A_165 : memref<10112x128xf32, #tpu.memory_space<vmem_shared>>) offsets(%dma_start3A_162 : memref<128xi32, #tpu.memory_space<vmem>>) semaphore(%run_scoped3A : memref<!tpu.dma_semaphore, #tpu.memory_space<semaphore_mem>>) {add = true}
          %dma_wait3A_166 = arith.constant 0 : i32
          %dma_wait3A_167 = tpu.memref_slice %arg8[%add3A_129, %dma_wait3A_166] : memref<48x128xi32, #tpu.memory_space<vmem>> -> memref<1x128xi32, #tpu.memory_space<vmem>>
          %dma_wait3A_168 = tpu.memref_squeeze %dma_wait3A_167 : memref<1x128xi32, #tpu.memory_space<vmem>> -> memref<128xi32, #tpu.memory_space<vmem>>
          %dma_wait3A_169 = arith.constant 0 : i32
          %dma_wait3A_170 = arith.constant 0 : i32
          %dma_wait3A_171 = tpu.memref_slice %arg11[%dma_wait3A_169, %dma_wait3A_170] : memref<10112x128xf32, #tpu.memory_space<vmem_shared>> -> memref<10112x128xf32, #tpu.memory_space<vmem_shared>>
          tpu.wait_indirect_dma semaphore(%run_scoped3A : memref<!tpu.dma_semaphore, #tpu.memory_space<semaphore_mem>>) src(%arg10 : memref<128x128xf32, #tpu.memory_space<vmem>>) dst(%dma_wait3A_171 : memref<10112x128xf32, #tpu.memory_space<vmem_shared>>)
          tpu.yield
        }) : () -> ()
        %add3A_151 = arith.constant 2 : i32
        %add3A_152 = arith.addi %add3A_129, %add3A_151 : i32
        %min3A_153 = arith.minsi %add3A_152, %sub3A_48 : i32
        %dma_start3A_154 = arith.constant 0 : i32
        %dma_start3A_155 = tpu.memref_slice %arg7[%min3A_153, %dma_start3A_154] : memref<48x128xi32, #tpu.memory_space<vmem>> -> memref<1x128xi32, #tpu.memory_space<vmem>>
        %dma_start3A_156 = tpu.memref_squeeze %dma_start3A_155 : memref<1x128xi32, #tpu.memory_space<vmem>> -> memref<128xi32, #tpu.memory_space<vmem>>
        %dma_start3A_157 = arith.constant 0 : i32
        %dma_start3A_158 = arith.constant 0 : i32
        %dma_start3A_159 = tpu.memref_slice %arg4[%dma_start3A_157, %dma_start3A_158] : memref<10000x128xf32, #tpu.memory_space<hbm>> -> memref<10000x128xf32, #tpu.memory_space<hbm>>
        tpu.enqueue_indirect_dma source(%dma_start3A_159 : memref<10000x128xf32, #tpu.memory_space<hbm>>) target(%arg10 : memref<128x128xf32, #tpu.memory_space<vmem>>) offsets(%dma_start3A_156 : memref<128xi32, #tpu.memory_space<vmem>>) semaphore(%arg13 : memref<!tpu.dma_semaphore, #tpu.memory_space<semaphore_mem>>)
      }
      %while3A_96 = arith.constant 1 : i32
      scf.for %while3A_125 = %while3A_94 to %while3A_90 step %while3A_96  : i32 {
        %mul3A_126 = arith.constant 2 : i32
        %mul3A_127 = arith.muli %mul3A_126, %while3A_125 : i32
        %add3A_128 = arith.constant 1 : i32
        %add3A_129 = arith.addi %mul3A_127, %add3A_128 : i32
        %dma_wait3A_130 = arith.constant 0 : i32
        %dma_wait3A_131 = tpu.memref_slice %arg7[%mul3A_127, %dma_wait3A_130] : memref<48x128xi32, #tpu.memory_space<vmem>> -> memref<1x128xi32, #tpu.memory_space<vmem>>
        %dma_wait3A_132 = tpu.memref_squeeze %dma_wait3A_131 : memref<1x128xi32, #tpu.memory_space<vmem>> -> memref<128xi32, #tpu.memory_space<vmem>>
        %dma_wait3A_133 = arith.constant 0 : i32
        %dma_wait3A_134 = arith.constant 0 : i32
        %dma_wait3A_135 = tpu.memref_slice %arg4[%dma_wait3A_133, %dma_wait3A_134] : memref<10000x128xf32, #tpu.memory_space<hbm>> -> memref<10000x128xf32, #tpu.memory_space<hbm>>
        tpu.wait_indirect_dma semaphore(%arg12 : memref<!tpu.dma_semaphore, #tpu.memory_space<semaphore_mem>>) src(%dma_wait3A_135 : memref<10000x128xf32, #tpu.memory_space<hbm>>) dst(%arg9 : memref<128x128xf32, #tpu.memory_space<vmem>>)
        "tpu.region"() ({
          %run_scoped3A = tpu.sem_alloc : memref<!tpu.dma_semaphore, #tpu.memory_space<semaphore_mem>>
          %dma_start3A_160 = arith.constant 0 : i32
          %dma_start3A_161 = tpu.memref_slice %arg8[%mul3A_127, %dma_start3A_160] : memref<48x128xi32, #tpu.memory_space<vmem>> -> memref<1x128xi32, #tpu.memory_space<vmem>>
          %dma_start3A_162 = tpu.memref_squeeze %dma_start3A_161 : memref<1x128xi32, #tpu.memory_space<vmem>> -> memref<128xi32, #tpu.memory_space<vmem>>
          %dma_start3A_163 = arith.constant 0 : i32
          %dma_start3A_164 = arith.constant 0 : i32
          %dma_start3A_165 = tpu.memref_slice %arg11[%dma_start3A_163, %dma_start3A_164] : memref<10112x128xf32, #tpu.memory_space<vmem_shared>> -> memref<10112x128xf32, #tpu.memory_space<vmem_shared>>
          tpu.enqueue_indirect_dma source(%arg9 : memref<128x128xf32, #tpu.memory_space<vmem>>) target(%dma_start3A_165 : memref<10112x128xf32, #tpu.memory_space<vmem_shared>>) offsets(%dma_start3A_162 : memref<128xi32, #tpu.memory_space<vmem>>) semaphore(%run_scoped3A : memref<!tpu.dma_semaphore, #tpu.memory_space<semaphore_mem>>) {add = true}
          %dma_wait3A_166 = arith.constant 0 : i32
          %dma_wait3A_167 = tpu.memref_slice %arg8[%mul3A_127, %dma_wait3A_166] : memref<48x128xi32, #tpu.memory_space<vmem>> -> memref<1x128xi32, #tpu.memory_space<vmem>>
          %dma_wait3A_168 = tpu.memref_squeeze %dma_wait3A_167 : memref<1x128xi32, #tpu.memory_space<vmem>> -> memref<128xi32, #tpu.memory_space<vmem>>
          %dma_wait3A_169 = arith.constant 0 : i32
          %dma_wait3A_170 = arith.constant 0 : i32
          %dma_wait3A_171 = tpu.memref_slice %arg11[%dma_wait3A_169, %dma_wait3A_170] : memref<10112x128xf32, #tpu.memory_space<vmem_shared>> -> memref<10112x128xf32, #tpu.memory_space<vmem_shared>>
          tpu.wait_indirect_dma semaphore(%run_scoped3A : memref<!tpu.dma_semaphore, #tpu.memory_space<semaphore_mem>>) src(%arg9 : memref<128x128xf32, #tpu.memory_space<vmem>>) dst(%dma_wait3A_171 : memref<10112x128xf32, #tpu.memory_space<vmem_shared>>)
          tpu.yield
        }) : () -> ()
        %add3A_136 = arith.constant 2 : i32
        %add3A_137 = arith.addi %mul3A_127, %add3A_136 : i32
        %min3A_138 = arith.minsi %add3A_137, %sub3A_48 : i32
        %dma_start3A_139 = arith.constant 0 : i32
        %dma_start3A_140 = tpu.memref_slice %arg7[%min3A_138, %dma_start3A_139] : memref<48x128xi32, #tpu.memory_space<vmem>> -> memref<1x128xi32, #tpu.memory_space<vmem>>
        %dma_start3A_141 = tpu.memref_squeeze %dma_start3A_140 : memref<1x128xi32, #tpu.memory_space<vmem>> -> memref<128xi32, #tpu.memory_space<vmem>>
        %dma_start3A_142 = arith.constant 0 : i32
        %dma_start3A_143 = arith.constant 0 : i32
        %dma_start3A_144 = tpu.memref_slice %arg4[%dma_start3A_142, %dma_start3A_143] : memref<10000x128xf32, #tpu.memory_space<hbm>> -> memref<10000x128xf32, #tpu.memory_space<hbm>>
        tpu.enqueue_indirect_dma source(%dma_start3A_144 : memref<10000x128xf32, #tpu.memory_space<hbm>>) target(%arg9 : memref<128x128xf32, #tpu.memory_space<vmem>>) offsets(%dma_start3A_141 : memref<128xi32, #tpu.memory_space<vmem>>) semaphore(%arg12 : memref<!tpu.dma_semaphore, #tpu.memory_space<semaphore_mem>>)
        %dma_wait3A_145 = arith.constant 0 : i32
        %dma_wait3A_146 = tpu.memref_slice %arg7[%add3A_129, %dma_wait3A_145] : memref<48x128xi32, #tpu.memory_space<vmem>> -> memref<1x128xi32, #tpu.memory_space<vmem>>
        %dma_wait3A_147 = tpu.memref_squeeze %dma_wait3A_146 : memref<1x128xi32, #tpu.memory_space<vmem>> -> memref<128xi32, #tpu.memory_space<vmem>>
        %dma_wait3A_148 = arith.constant 0 : i32
        %dma_wait3A_149 = arith.constant 0 : i32
        %dma_wait3A_150 = tpu.memref_slice %arg4[%dma_wait3A_148, %dma_wait3A_149] : memref<10000x128xf32, #tpu.memory_space<hbm>> -> memref<10000x128xf32, #tpu.memory_space<hbm>>
        tpu.wait_indirect_dma semaphore(%arg13 : memref<!tpu.dma_semaphore, #tpu.memory_space<semaphore_mem>>) src(%dma_wait3A_150 : memref<10000x128xf32, #tpu.memory_space<hbm>>) dst(%arg10 : memref<128x128xf32, #tpu.memory_space<vmem>>)
        "tpu.region"() ({
          %run_scoped3A = tpu.sem_alloc : memref<!tpu.dma_semaphore, #tpu.memory_space<semaphore_mem>>
          %dma_start3A_160 = arith.constant 0 : i32
          %dma_start3A_161 = tpu.memref_slice %arg8[%add3A_129, %dma_start3A_160] : memref<48x128xi32, #tpu.memory_space<vmem>> -> memref<1x128xi32, #tpu.memory_space<vmem>>
          %dma_start3A_162 = tpu.memref_squeeze %dma_start3A_161 : memref<1x128xi32, #tpu.memory_space<vmem>> -> memref<128xi32, #tpu.memory_space<vmem>>
          %dma_start3A_163 = arith.constant 0 : i32
          %dma_start3A_164 = arith.constant 0 : i32
          %dma_start3A_165 = tpu.memref_slice %arg11[%dma_start3A_163, %dma_start3A_164] : memref<10112x128xf32, #tpu.memory_space<vmem_shared>> -> memref<10112x128xf32, #tpu.memory_space<vmem_shared>>
          tpu.enqueue_indirect_dma source(%arg10 : memref<128x128xf32, #tpu.memory_space<vmem>>) target(%dma_start3A_165 : memref<10112x128xf32, #tpu.memory_space<vmem_shared>>) offsets(%dma_start3A_162 : memref<128xi32, #tpu.memory_space<vmem>>) semaphore(%run_scoped3A : memref<!tpu.dma_semaphore, #tpu.memory_space<semaphore_mem>>) {add = true}
          %dma_wait3A_166 = arith.constant 0 : i32
          %dma_wait3A_167 = tpu.memref_slice %arg8[%add3A_129, %dma_wait3A_166] : memref<48x128xi32, #tpu.memory_space<vmem>> -> memref<1x128xi32, #tpu.memory_space<vmem>>
          %dma_wait3A_168 = tpu.memref_squeeze %dma_wait3A_167 : memref<1x128xi32, #tpu.memory_space<vmem>> -> memref<128xi32, #tpu.memory_space<vmem>>
          %dma_wait3A_169 = arith.constant 0 : i32
          %dma_wait3A_170 = arith.constant 0 : i32
          %dma_wait3A_171 = tpu.memref_slice %arg11[%dma_wait3A_169, %dma_wait3A_170] : memref<10112x128xf32, #tpu.memory_space<vmem_shared>> -> memref<10112x128xf32, #tpu.memory_space<vmem_shared>>
          tpu.wait_indirect_dma semaphore(%run_scoped3A : memref<!tpu.dma_semaphore, #tpu.memory_space<semaphore_mem>>) src(%arg10 : memref<128x128xf32, #tpu.memory_space<vmem>>) dst(%dma_wait3A_171 : memref<10112x128xf32, #tpu.memory_space<vmem_shared>>)
          tpu.yield
        }) : () -> ()
        %add3A_151 = arith.constant 2 : i32
        %add3A_152 = arith.addi %add3A_129, %add3A_151 : i32
        %min3A_153 = arith.minsi %add3A_152, %sub3A_48 : i32
        %dma_start3A_154 = arith.constant 0 : i32
        %dma_start3A_155 = tpu.memref_slice %arg7[%min3A_153, %dma_start3A_154] : memref<48x128xi32, #tpu.memory_space<vmem>> -> memref<1x128xi32, #tpu.memory_space<vmem>>
        %dma_start3A_156 = tpu.memref_squeeze %dma_start3A_155 : memref<1x128xi32, #tpu.memory_space<vmem>> -> memref<128xi32, #tpu.memory_space<vmem>>
        %dma_start3A_157 = arith.constant 0 : i32
        %dma_start3A_158 = arith.constant 0 : i32
        %dma_start3A_159 = tpu.memref_slice %arg4[%dma_start3A_157, %dma_start3A_158] : memref<10000x128xf32, #tpu.memory_space<hbm>> -> memref<10000x128xf32, #tpu.memory_space<hbm>>
        tpu.enqueue_indirect_dma source(%dma_start3A_159 : memref<10000x128xf32, #tpu.memory_space<hbm>>) target(%arg10 : memref<128x128xf32, #tpu.memory_space<vmem>>) offsets(%dma_start3A_156 : memref<128xi32, #tpu.memory_space<vmem>>) semaphore(%arg13 : memref<!tpu.dma_semaphore, #tpu.memory_space<semaphore_mem>>)
      }
      %dma_wait3A = arith.constant 0 : i32
      %dma_wait3A_97 = tpu.memref_slice %arg7[%sub3A_48, %dma_wait3A] : memref<48x128xi32, #tpu.memory_space<vmem>> -> memref<1x128xi32, #tpu.memory_space<vmem>>
      %dma_wait3A_98 = tpu.memref_squeeze %dma_wait3A_97 : memref<1x128xi32, #tpu.memory_space<vmem>> -> memref<128xi32, #tpu.memory_space<vmem>>
      %dma_wait3A_99 = arith.constant 0 : i32
      %dma_wait3A_100 = arith.constant 0 : i32
      %dma_wait3A_101 = tpu.memref_slice %arg4[%dma_wait3A_99, %dma_wait3A_100] : memref<10000x128xf32, #tpu.memory_space<hbm>> -> memref<10000x128xf32, #tpu.memory_space<hbm>>
      tpu.wait_indirect_dma semaphore(%arg12 : memref<!tpu.dma_semaphore, #tpu.memory_space<semaphore_mem>>) src(%dma_wait3A_101 : memref<10000x128xf32, #tpu.memory_space<hbm>>) dst(%arg9 : memref<128x128xf32, #tpu.memory_space<vmem>>)
      %jit3A_102 = arith.constant 2 : i32
      %eq3A = arith.constant 0 : i32
      %eq3A_103 = arith.cmpi eq, %jit3A_102, %eq3A : i32
      %jit3A_104 = arith.constant 1 : i32
      %select_n3A_105 = arith.select %eq3A_103, %jit3A_104, %jit3A_102 : i32
      %rem3A_106 = arith.remsi %min3A_46, %select_n3A_105 : i32
      %ne3A_107 = arith.constant 0 : i32
      %ne3A_108 = arith.cmpi ne, %rem3A_106, %ne3A_107 : i32
      %lt3A = arith.constant 0 : i32
      %lt3A_109 = arith.cmpi slt, %rem3A_106, %lt3A : i32
      %lt3A_110 = arith.constant 0 : i32
      %lt3A_111 = arith.cmpi slt, %select_n3A_105, %lt3A_110 : i32
      %ne3A_112 = arith.xori %lt3A_109, %lt3A_111 : i1
      %and3A_113 = arith.andi %ne3A_112, %ne3A_108 : i1
      %add3A_114 = arith.addi %rem3A_106, %select_n3A_105 : i32
      %select_n3A_115 = arith.select %and3A_113, %add3A_114, %rem3A_106 : i32
      %eq3A_116 = arith.constant 1 : i32
      %eq3A_117 = arith.cmpi eq, %select_n3A_115, %eq3A_116 : i32
      %convert_element_type3A = arith.extui %eq3A_117 : i1 to i32
      %cond3A = arith.constant 0 : i32
      %cond3A_118 = arith.cmpi ne, %convert_element_type3A, %cond3A : i32
      scf.if %cond3A_118 {
        "tpu.region"() ({
          %run_scoped3A = tpu.sem_alloc : memref<!tpu.dma_semaphore, #tpu.memory_space<semaphore_mem>>
          %dma_start3A_125 = arith.constant 0 : i32
          %dma_start3A_126 = tpu.memref_slice %arg8[%sub3A_48, %dma_start3A_125] : memref<48x128xi32, #tpu.memory_space<vmem>> -> memref<1x128xi32, #tpu.memory_space<vmem>>
          %dma_start3A_127 = tpu.memref_squeeze %dma_start3A_126 : memref<1x128xi32, #tpu.memory_space<vmem>> -> memref<128xi32, #tpu.memory_space<vmem>>
          %dma_start3A_128 = arith.constant 0 : i32
          %dma_start3A_129 = arith.constant 0 : i32
          %dma_start3A_130 = tpu.memref_slice %arg11[%dma_start3A_128, %dma_start3A_129] : memref<10112x128xf32, #tpu.memory_space<vmem_shared>> -> memref<10112x128xf32, #tpu.memory_space<vmem_shared>>
          tpu.enqueue_indirect_dma source(%arg9 : memref<128x128xf32, #tpu.memory_space<vmem>>) target(%dma_start3A_130 : memref<10112x128xf32, #tpu.memory_space<vmem_shared>>) offsets(%dma_start3A_127 : memref<128xi32, #tpu.memory_space<vmem>>) semaphore(%run_scoped3A : memref<!tpu.dma_semaphore, #tpu.memory_space<semaphore_mem>>) {add = true}
          %dma_wait3A_131 = arith.constant 0 : i32
          %dma_wait3A_132 = tpu.memref_slice %arg8[%sub3A_48, %dma_wait3A_131] : memref<48x128xi32, #tpu.memory_space<vmem>> -> memref<1x128xi32, #tpu.memory_space<vmem>>
          %dma_wait3A_133 = tpu.memref_squeeze %dma_wait3A_132 : memref<1x128xi32, #tpu.memory_space<vmem>> -> memref<128xi32, #tpu.memory_space<vmem>>
          %dma_wait3A_134 = arith.constant 0 : i32
          %dma_wait3A_135 = arith.constant 0 : i32
          %dma_wait3A_136 = tpu.memref_slice %arg11[%dma_wait3A_134, %dma_wait3A_135] : memref<10112x128xf32, #tpu.memory_space<vmem_shared>> -> memref<10112x128xf32, #tpu.memory_space<vmem_shared>>
          tpu.wait_indirect_dma semaphore(%run_scoped3A : memref<!tpu.dma_semaphore, #tpu.memory_space<semaphore_mem>>) src(%arg9 : memref<128x128xf32, #tpu.memory_space<vmem>>) dst(%dma_wait3A_136 : memref<10112x128xf32, #tpu.memory_space<vmem_shared>>)
          tpu.yield
        }) : () -> ()
      } else {
      }
      %dma_wait3A_119 = arith.constant 0 : i32
      %dma_wait3A_120 = tpu.memref_slice %arg7[%sub3A_48, %dma_wait3A_119] : memref<48x128xi32, #tpu.memory_space<vmem>> -> memref<1x128xi32, #tpu.memory_space<vmem>>
      %dma_wait3A_121 = tpu.memref_squeeze %dma_wait3A_120 : memref<1x128xi32, #tpu.memory_space<vmem>> -> memref<128xi32, #tpu.memory_space<vmem>>
      %dma_wait3A_122 = arith.constant 0 : i32
      %dma_wait3A_123 = arith.constant 0 : i32
      %dma_wait3A_124 = tpu.memref_slice %arg4[%dma_wait3A_122, %dma_wait3A_123] : memref<10000x128xf32, #tpu.memory_space<hbm>> -> memref<10000x128xf32, #tpu.memory_space<hbm>>
      tpu.wait_indirect_dma semaphore(%arg13 : memref<!tpu.dma_semaphore, #tpu.memory_space<semaphore_mem>>) src(%dma_wait3A_124 : memref<10000x128xf32, #tpu.memory_space<hbm>>) dst(%arg10 : memref<128x128xf32, #tpu.memory_space<vmem>>)
    }
    %barrier3A_37 = arith.constant 0 : index
    tpu.barrier barrier_id(%barrier3A_37)
    "tpu.region"() ({
      %run_scoped3A = tpu.sem_alloc : memref<!tpu.dma_semaphore, #tpu.memory_space<semaphore_mem>>
      %dma_start3A = arith.constant 0 : i32
      %dma_start3A_38 = tpu.memref_slice %arg6[%arg0, %mul3A_0, %dma_start3A] : memref<2x10112x128xf32, #tpu.memory_space<hbm>> -> memref<1x632x128xf32, #tpu.memory_space<hbm>>
      %dma_start3A_39 = tpu.memref_squeeze %dma_start3A_38 : memref<1x632x128xf32, #tpu.memory_space<hbm>> -> memref<632x128xf32, #tpu.memory_space<hbm>>
      %dma_start3A_40 = arith.constant 0 : i32
      %dma_start3A_41 = tpu.memref_slice %arg11[%mul3A_0, %dma_start3A_40] : memref<10112x128xf32, #tpu.memory_space<vmem_shared>> -> memref<632x128xf32, #tpu.memory_space<vmem_shared>>
      tpu.enqueue_dma source(%dma_start3A_41 : memref<632x128xf32, #tpu.memory_space<vmem_shared>>) target(%dma_start3A_39 : memref<632x128xf32, #tpu.memory_space<hbm>>) target_semaphore(%run_scoped3A : memref<!tpu.dma_semaphore, #tpu.memory_space<semaphore_mem>>)
      %dma_wait3A = arith.constant 0 : i32
      %dma_wait3A_42 = tpu.memref_slice %arg6[%arg0, %mul3A_0, %dma_wait3A] : memref<2x10112x128xf32, #tpu.memory_space<hbm>> -> memref<1x632x128xf32, #tpu.memory_space<hbm>>
      %dma_wait3A_43 = tpu.memref_squeeze %dma_wait3A_42 : memref<1x632x128xf32, #tpu.memory_space<hbm>> -> memref<632x128xf32, #tpu.memory_space<hbm>>
      %dma_wait3A_44 = arith.constant 0 : i32
      %dma_wait3A_45 = tpu.memref_slice %arg11[%mul3A_0, %dma_wait3A_44] : memref<10112x128xf32, #tpu.memory_space<vmem_shared>> -> memref<632x128xf32, #tpu.memory_space<vmem_shared>>
      tpu.wait_dma2 semaphore(%run_scoped3A : memref<!tpu.dma_semaphore, #tpu.memory_space<semaphore_mem>>) src(%dma_wait3A_45 : memref<632x128xf32, #tpu.memory_space<vmem_shared>>) dst(%dma_wait3A_43 : memref<632x128xf32, #tpu.memory_space<hbm>>)
      tpu.yield
    }) : () -> ()
    return
  }
}

#map = affine_map<(d0, d1) -> (0, 0)>
#map1 = affine_map<(d0, d1) -> (0, 0, 0)>
module attributes {stable_mosaic.version = 14 : i64} {
  func.func @agg_e(%arg0: i32, %arg1: i32, %arg2: memref<2560x128xi32, #tpu.memory_space<hbm>>, %arg3: memref<320000x128xf32, #tpu.memory_space<hbm>>, %arg4: memref<632x128xf32, #tpu.memory_space<hbm>>, %arg5: memref<2x10112x128xf32, #tpu.memory_space<hbm>>, %arg6: memref<48x128xi32, #tpu.memory_space<vmem>>, %arg7: memref<128x128xf32, #tpu.memory_space<vmem>>, %arg8: memref<128x128xf32, #tpu.memory_space<vmem>>, %arg9: memref<10112x128xf32, #tpu.memory_space<vmem_shared>>, %arg10: memref<!tpu.dma_semaphore, #tpu.memory_space<semaphore_mem>>, %arg11: memref<!tpu.dma_semaphore, #tpu.memory_space<semaphore_mem>>) attributes {dimension_semantics = [#tpu.dimension_semantics<core_parallel>, #tpu.dimension_semantics<subcore_parallel>], iteration_bounds = array<i64: 2, 16>, scalar_prefetch = 0 : i64, scratch_operands = 6 : i64, tpu.core_type = #tpu.core_type<sc_vector_subcore>, window_params = [{transform_indices = #map}, {transform_indices = #map}, {transform_indices = #map}, {transform_indices = #map1}]} {
    %mul3A = arith.constant 632 : i32
    %mul3A_0 = arith.muli %arg1, %mul3A : i32
    "tpu.region"() ({
      %run_scoped3A = tpu.sem_alloc : memref<!tpu.dma_semaphore, #tpu.memory_space<semaphore_mem>>
      %dma_start3A = arith.constant 0 : i32
      %dma_start3A_38 = tpu.memref_slice %arg9[%mul3A_0, %dma_start3A] : memref<10112x128xf32, #tpu.memory_space<vmem_shared>> -> memref<632x128xf32, #tpu.memory_space<vmem_shared>>
      tpu.enqueue_dma source(%arg4 : memref<632x128xf32, #tpu.memory_space<hbm>>) target(%dma_start3A_38 : memref<632x128xf32, #tpu.memory_space<vmem_shared>>) target_semaphore(%run_scoped3A : memref<!tpu.dma_semaphore, #tpu.memory_space<semaphore_mem>>)
      %dma_wait3A = arith.constant 0 : i32
      %dma_wait3A_39 = tpu.memref_slice %arg9[%mul3A_0, %dma_wait3A] : memref<10112x128xf32, #tpu.memory_space<vmem_shared>> -> memref<632x128xf32, #tpu.memory_space<vmem_shared>>
      tpu.wait_dma2 semaphore(%run_scoped3A : memref<!tpu.dma_semaphore, #tpu.memory_space<semaphore_mem>>) src(%arg4 : memref<632x128xf32, #tpu.memory_space<hbm>>) dst(%dma_wait3A_39 : memref<632x128xf32, #tpu.memory_space<vmem_shared>>)
      tpu.yield
    }) : () -> ()
    %barrier3A = arith.constant 0 : index
    tpu.barrier barrier_id(%barrier3A)
    %mul3A_1 = arith.constant 2 : i32
    %mul3A_2 = arith.muli %arg1, %mul3A_1 : i32
    %add3A = arith.addi %mul3A_2, %arg0 : i32
    %mul3A_3 = arith.constant 80 : i32
    %mul3A_4 = arith.muli %add3A, %mul3A_3 : i32
    %sub3A = arith.constant 2500 : i32
    %sub3A_5 = arith.subi %sub3A, %mul3A_4 : i32
    %jit3A = arith.constant 0 : i32
    %jit3A_6 = arith.constant 80 : i32
    %max3A = arith.maxsi %jit3A, %sub3A_5 : i32
    %min3A = arith.minsi %jit3A_6, %max3A : i32
    %neg3A = arith.constant 0 : i32
    %neg3A_7 = arith.subi %neg3A, %min3A : i32
    %jit3A_8 = arith.constant 48 : i32
    %div3A = arith.divsi %neg3A_7, %jit3A_8 : i32
    %sign3A = arith.constant 0 : i32
    %sign3A_9 = arith.cmpi sgt, %neg3A_7, %sign3A : i32
    %sign3A_10 = arith.extui %sign3A_9 : i1 to i32
    %sign3A_11 = arith.constant 0 : i32
    %sign3A_12 = arith.cmpi slt, %neg3A_7, %sign3A_11 : i32
    %sign3A_13 = arith.extui %sign3A_12 : i1 to i32
    %sign3A_14 = arith.subi %sign3A_10, %sign3A_13 : i32
    %sign3A_15 = arith.constant 0 : i32
    %sign3A_16 = arith.cmpi sgt, %jit3A_8, %sign3A_15 : i32
    %sign3A_17 = arith.extui %sign3A_16 : i1 to i32
    %sign3A_18 = arith.constant 0 : i32
    %sign3A_19 = arith.cmpi slt, %jit3A_8, %sign3A_18 : i32
    %sign3A_20 = arith.extui %sign3A_19 : i1 to i32
    %sign3A_21 = arith.subi %sign3A_17, %sign3A_20 : i32
    %ne3A = arith.cmpi ne, %sign3A_14, %sign3A_21 : i32
    %rem3A = arith.remsi %neg3A_7, %jit3A_8 : i32
    %ne3A_22 = arith.constant 0 : i32
    %ne3A_23 = arith.cmpi ne, %rem3A, %ne3A_22 : i32
    %and3A = arith.andi %ne3A, %ne3A_23 : i1
    %sub3A_24 = arith.constant 1 : i32
    %sub3A_25 = arith.subi %div3A, %sub3A_24 : i32
    %select_n3A = arith.select %and3A, %sub3A_25, %div3A : i32
    %neg3A_26 = arith.constant 0 : i32
    %neg3A_27 = arith.subi %neg3A_26, %select_n3A : i32
    %while3A = arith.constant 0 : i32
    %while3A_28 = arith.constant 0 : i32
    %while3A_29 = arith.subi %neg3A_27, %while3A_28 : i32
    %while3A_30 = arith.addi %while3A_28, %while3A_29 : i32
    %while3A_31 = arith.constant 1 : i32
    %while3A_32 = arith.divsi %while3A_29, %while3A_31 : i32
    %while3A_33 = arith.muli %while3A_32, %while3A_31 : i32
    %while3A_34 = arith.addi %while3A_28, %while3A_33 : i32
    %while3A_35 = arith.constant 1 : i32
    scf.for %while3A_38 = %while3A_28 to %while3A_34 step %while3A_35  : i32 {
      %mul3A_39 = arith.constant 48 : i32
      %mul3A_40 = arith.muli %while3A_38, %mul3A_39 : i32
      %add3A_41 = arith.addi %mul3A_4, %mul3A_40 : i32
      %mul3A_42 = arith.constant 48 : i32
      %mul3A_43 = arith.muli %while3A_38, %mul3A_42 : i32
      %sub3A_44 = arith.subi %min3A, %mul3A_43 : i32
      %min3A_45 = arith.constant 48 : i32
      %min3A_46 = arith.minsi %min3A_45, %sub3A_44 : i32
      %sub3A_47 = arith.constant 1 : i32
      %sub3A_48 = arith.subi %min3A_46, %sub3A_47 : i32
      "tpu.region"() ({
        %run_scoped3A = tpu.sem_alloc : memref<!tpu.dma_semaphore, #tpu.memory_space<semaphore_mem>>
        %dma_start3A_129 = arith.constant 0 : i32
        %dma_start3A_130 = tpu.memref_slice %arg2[%add3A_41, %dma_start3A_129] : memref<2560x128xi32, #tpu.memory_space<hbm>> -> memref<48x128xi32, #tpu.memory_space<hbm>>
        %dma_start3A_131 = arith.constant 0 : i32
        %dma_start3A_132 = tpu.memref_slice %arg2[%add3A_41, %dma_start3A_131] : memref<2560x128xi32, #tpu.memory_space<hbm>> -> memref<48x128xi32, #tpu.memory_space<hbm>>
        tpu.enqueue_dma source(%dma_start3A_132 : memref<48x128xi32, #tpu.memory_space<hbm>>) target(%arg6 : memref<48x128xi32, #tpu.memory_space<vmem>>) target_semaphore(%run_scoped3A : memref<!tpu.dma_semaphore, #tpu.memory_space<semaphore_mem>>)
        %dma_wait3A_133 = arith.constant 0 : i32
        %dma_wait3A_134 = tpu.memref_slice %arg2[%add3A_41, %dma_wait3A_133] : memref<2560x128xi32, #tpu.memory_space<hbm>> -> memref<48x128xi32, #tpu.memory_space<hbm>>
        %dma_wait3A_135 = arith.constant 0 : i32
        %dma_wait3A_136 = tpu.memref_slice %arg2[%add3A_41, %dma_wait3A_135] : memref<2560x128xi32, #tpu.memory_space<hbm>> -> memref<48x128xi32, #tpu.memory_space<hbm>>
        tpu.wait_dma2 semaphore(%run_scoped3A : memref<!tpu.dma_semaphore, #tpu.memory_space<semaphore_mem>>) src(%dma_wait3A_136 : memref<48x128xi32, #tpu.memory_space<hbm>>) dst(%arg6 : memref<48x128xi32, #tpu.memory_space<vmem>>)
        tpu.yield
      }) : () -> ()
      %add3A_49 = arith.constant 0 : i32
      %add3A_50 = arith.addi %add3A_41, %add3A_49 : i32
      %mul3A_51 = arith.constant 128 : i32
      %mul3A_52 = arith.muli %add3A_50, %mul3A_51 : i32
      %dma_start3A = arith.constant 0 : i32
      %dma_start3A_53 = tpu.memref_slice %arg3[%mul3A_52, %dma_start3A] : memref<320000x128xf32, #tpu.memory_space<hbm>> -> memref<128x128xf32, #tpu.memory_space<hbm>>
      %dma_start3A_54 = arith.constant 0 : i32
      %dma_start3A_55 = tpu.memref_slice %arg3[%mul3A_52, %dma_start3A_54] : memref<320000x128xf32, #tpu.memory_space<hbm>> -> memref<128x128xf32, #tpu.memory_space<hbm>>
      tpu.enqueue_dma source(%dma_start3A_55 : memref<128x128xf32, #tpu.memory_space<hbm>>) target(%arg7 : memref<128x128xf32, #tpu.memory_space<vmem>>) target_semaphore(%arg10 : memref<!tpu.dma_semaphore, #tpu.memory_space<semaphore_mem>>)
      %min3A_56 = arith.constant 1 : i32
      %min3A_57 = arith.minsi %min3A_56, %sub3A_48 : i32
      %add3A_58 = arith.addi %add3A_41, %min3A_57 : i32
      %mul3A_59 = arith.constant 128 : i32
      %mul3A_60 = arith.muli %add3A_58, %mul3A_59 : i32
      %dma_start3A_61 = arith.constant 0 : i32
      %dma_start3A_62 = tpu.memref_slice %arg3[%mul3A_60, %dma_start3A_61] : memref<320000x128xf32, #tpu.memory_space<hbm>> -> memref<128x128xf32, #tpu.memory_space<hbm>>
      %dma_start3A_63 = arith.constant 0 : i32
      %dma_start3A_64 = tpu.memref_slice %arg3[%mul3A_60, %dma_start3A_63] : memref<320000x128xf32, #tpu.memory_space<hbm>> -> memref<128x128xf32, #tpu.memory_space<hbm>>
      tpu.enqueue_dma source(%dma_start3A_64 : memref<128x128xf32, #tpu.memory_space<hbm>>) target(%arg8 : memref<128x128xf32, #tpu.memory_space<vmem>>) target_semaphore(%arg11 : memref<!tpu.dma_semaphore, #tpu.memory_space<semaphore_mem>>)
      %jit3A_65 = arith.constant 2 : i32
      %div3A_66 = arith.divsi %min3A_46, %jit3A_65 : i32
      %sign3A_67 = arith.constant 0 : i32
      %sign3A_68 = arith.cmpi sgt, %min3A_46, %sign3A_67 : i32
      %sign3A_69 = arith.extui %sign3A_68 : i1 to i32
      %sign3A_70 = arith.constant 0 : i32
      %sign3A_71 = arith.cmpi slt, %min3A_46, %sign3A_70 : i32
      %sign3A_72 = arith.extui %sign3A_71 : i1 to i32
      %sign3A_73 = arith.subi %sign3A_69, %sign3A_72 : i32
      %sign3A_74 = arith.constant 0 : i32
      %sign3A_75 = arith.cmpi sgt, %jit3A_65, %sign3A_74 : i32
      %sign3A_76 = arith.extui %sign3A_75 : i1 to i32
      %sign3A_77 = arith.constant 0 : i32
      %sign3A_78 = arith.cmpi slt, %jit3A_65, %sign3A_77 : i32
      %sign3A_79 = arith.extui %sign3A_78 : i1 to i32
      %sign3A_80 = arith.subi %sign3A_76, %sign3A_79 : i32
      %ne3A_81 = arith.cmpi ne, %sign3A_73, %sign3A_80 : i32
      %rem3A_82 = arith.remsi %min3A_46, %jit3A_65 : i32
      %ne3A_83 = arith.constant 0 : i32
      %ne3A_84 = arith.cmpi ne, %rem3A_82, %ne3A_83 : i32
      %and3A_85 = arith.andi %ne3A_81, %ne3A_84 : i1
      %sub3A_86 = arith.constant 1 : i32
      %sub3A_87 = arith.subi %div3A_66, %sub3A_86 : i32
      %select_n3A_88 = arith.select %and3A_85, %sub3A_87, %div3A_66 : i32
      %while3A_89 = arith.constant 0 : i32
      %while3A_90 = arith.constant 0 : i32
      %while3A_91 = arith.subi %select_n3A_88, %while3A_90 : i32
      %while3A_92 = arith.addi %while3A_90, %while3A_91 : i32
      %while3A_93 = arith.constant 1 : i32
      %while3A_94 = arith.divsi %while3A_91, %while3A_93 : i32
      %while3A_95 = arith.muli %while3A_94, %while3A_93 : i32
      %while3A_96 = arith.addi %while3A_90, %while3A_95 : i32
      %while3A_97 = arith.constant 1 : i32
      scf.for %while3A_129 = %while3A_90 to %while3A_96 step %while3A_97  : i32 {
        %mul3A_130 = arith.constant 2 : i32
        %mul3A_131 = arith.muli %mul3A_130, %while3A_129 : i32
        %add3A_132 = arith.constant 1 : i32
        %add3A_133 = arith.addi %mul3A_131, %add3A_132 : i32
        %add3A_134 = arith.addi %add3A_41, %mul3A_131 : i32
        %mul3A_135 = arith.constant 128 : i32
        %mul3A_136 = arith.muli %add3A_134, %mul3A_135 : i32
        %dma_wait3A_137 = arith.constant 0 : i32
        %dma_wait3A_138 = tpu.memref_slice %arg3[%mul3A_136, %dma_wait3A_137] : memref<320000x128xf32, #tpu.memory_space<hbm>> -> memref<128x128xf32, #tpu.memory_space<hbm>>
        %dma_wait3A_139 = arith.constant 0 : i32
        %dma_wait3A_140 = tpu.memref_slice %arg3[%mul3A_136, %dma_wait3A_139] : memref<320000x128xf32, #tpu.memory_space<hbm>> -> memref<128x128xf32, #tpu.memory_space<hbm>>
        tpu.wait_dma2 semaphore(%arg10 : memref<!tpu.dma_semaphore, #tpu.memory_space<semaphore_mem>>) src(%dma_wait3A_140 : memref<128x128xf32, #tpu.memory_space<hbm>>) dst(%arg7 : memref<128x128xf32, #tpu.memory_space<vmem>>)
        "tpu.region"() ({
          %run_scoped3A = tpu.sem_alloc : memref<!tpu.dma_semaphore, #tpu.memory_space<semaphore_mem>>
          %dma_start3A_168 = arith.constant 0 : i32
          %dma_start3A_169 = tpu.memref_slice %arg6[%mul3A_131, %dma_start3A_168] : memref<48x128xi32, #tpu.memory_space<vmem>> -> memref<1x128xi32, #tpu.memory_space<vmem>>
          %dma_start3A_170 = tpu.memref_squeeze %dma_start3A_169 : memref<1x128xi32, #tpu.memory_space<vmem>> -> memref<128xi32, #tpu.memory_space<vmem>>
          %dma_start3A_171 = arith.constant 0 : i32
          %dma_start3A_172 = arith.constant 0 : i32
          %dma_start3A_173 = tpu.memref_slice %arg9[%dma_start3A_171, %dma_start3A_172] : memref<10112x128xf32, #tpu.memory_space<vmem_shared>> -> memref<10112x128xf32, #tpu.memory_space<vmem_shared>>
          tpu.enqueue_indirect_dma source(%arg7 : memref<128x128xf32, #tpu.memory_space<vmem>>) target(%dma_start3A_173 : memref<10112x128xf32, #tpu.memory_space<vmem_shared>>) offsets(%dma_start3A_170 : memref<128xi32, #tpu.memory_space<vmem>>) semaphore(%run_scoped3A : memref<!tpu.dma_semaphore, #tpu.memory_space<semaphore_mem>>) {add = true}
          %dma_wait3A_174 = arith.constant 0 : i32
          %dma_wait3A_175 = tpu.memref_slice %arg6[%mul3A_131, %dma_wait3A_174] : memref<48x128xi32, #tpu.memory_space<vmem>> -> memref<1x128xi32, #tpu.memory_space<vmem>>
          %dma_wait3A_176 = tpu.memref_squeeze %dma_wait3A_175 : memref<1x128xi32, #tpu.memory_space<vmem>> -> memref<128xi32, #tpu.memory_space<vmem>>
          %dma_wait3A_177 = arith.constant 0 : i32
          %dma_wait3A_178 = arith.constant 0 : i32
          %dma_wait3A_179 = tpu.memref_slice %arg9[%dma_wait3A_177, %dma_wait3A_178] : memref<10112x128xf32, #tpu.memory_space<vmem_shared>> -> memref<10112x128xf32, #tpu.memory_space<vmem_shared>>
          tpu.wait_indirect_dma semaphore(%run_scoped3A : memref<!tpu.dma_semaphore, #tpu.memory_space<semaphore_mem>>) src(%arg7 : memref<128x128xf32, #tpu.memory_space<vmem>>) dst(%dma_wait3A_179 : memref<10112x128xf32, #tpu.memory_space<vmem_shared>>)
          tpu.yield
        }) : () -> ()
        %add3A_141 = arith.constant 2 : i32
        %add3A_142 = arith.addi %mul3A_131, %add3A_141 : i32
        %min3A_143 = arith.minsi %add3A_142, %sub3A_48 : i32
        %add3A_144 = arith.addi %add3A_41, %min3A_143 : i32
        %mul3A_145 = arith.constant 128 : i32
        %mul3A_146 = arith.muli %add3A_144, %mul3A_145 : i32
        %dma_start3A_147 = arith.constant 0 : i32
        %dma_start3A_148 = tpu.memref_slice %arg3[%mul3A_146, %dma_start3A_147] : memref<320000x128xf32, #tpu.memory_space<hbm>> -> memref<128x128xf32, #tpu.memory_space<hbm>>
        %dma_start3A_149 = arith.constant 0 : i32
        %dma_start3A_150 = tpu.memref_slice %arg3[%mul3A_146, %dma_start3A_149] : memref<320000x128xf32, #tpu.memory_space<hbm>> -> memref<128x128xf32, #tpu.memory_space<hbm>>
        tpu.enqueue_dma source(%dma_start3A_150 : memref<128x128xf32, #tpu.memory_space<hbm>>) target(%arg7 : memref<128x128xf32, #tpu.memory_space<vmem>>) target_semaphore(%arg10 : memref<!tpu.dma_semaphore, #tpu.memory_space<semaphore_mem>>)
        %add3A_151 = arith.addi %add3A_41, %add3A_133 : i32
        %mul3A_152 = arith.constant 128 : i32
        %mul3A_153 = arith.muli %add3A_151, %mul3A_152 : i32
        %dma_wait3A_154 = arith.constant 0 : i32
        %dma_wait3A_155 = tpu.memref_slice %arg3[%mul3A_153, %dma_wait3A_154] : memref<320000x128xf32, #tpu.memory_space<hbm>> -> memref<128x128xf32, #tpu.memory_space<hbm>>
        %dma_wait3A_156 = arith.constant 0 : i32
        %dma_wait3A_157 = tpu.memref_slice %arg3[%mul3A_153, %dma_wait3A_156] : memref<320000x128xf32, #tpu.memory_space<hbm>> -> memref<128x128xf32, #tpu.memory_space<hbm>>
        tpu.wait_dma2 semaphore(%arg11 : memref<!tpu.dma_semaphore, #tpu.memory_space<semaphore_mem>>) src(%dma_wait3A_157 : memref<128x128xf32, #tpu.memory_space<hbm>>) dst(%arg8 : memref<128x128xf32, #tpu.memory_space<vmem>>)
        "tpu.region"() ({
          %run_scoped3A = tpu.sem_alloc : memref<!tpu.dma_semaphore, #tpu.memory_space<semaphore_mem>>
          %dma_start3A_168 = arith.constant 0 : i32
          %dma_start3A_169 = tpu.memref_slice %arg6[%add3A_133, %dma_start3A_168] : memref<48x128xi32, #tpu.memory_space<vmem>> -> memref<1x128xi32, #tpu.memory_space<vmem>>
          %dma_start3A_170 = tpu.memref_squeeze %dma_start3A_169 : memref<1x128xi32, #tpu.memory_space<vmem>> -> memref<128xi32, #tpu.memory_space<vmem>>
          %dma_start3A_171 = arith.constant 0 : i32
          %dma_start3A_172 = arith.constant 0 : i32
          %dma_start3A_173 = tpu.memref_slice %arg9[%dma_start3A_171, %dma_start3A_172] : memref<10112x128xf32, #tpu.memory_space<vmem_shared>> -> memref<10112x128xf32, #tpu.memory_space<vmem_shared>>
          tpu.enqueue_indirect_dma source(%arg8 : memref<128x128xf32, #tpu.memory_space<vmem>>) target(%dma_start3A_173 : memref<10112x128xf32, #tpu.memory_space<vmem_shared>>) offsets(%dma_start3A_170 : memref<128xi32, #tpu.memory_space<vmem>>) semaphore(%run_scoped3A : memref<!tpu.dma_semaphore, #tpu.memory_space<semaphore_mem>>) {add = true}
          %dma_wait3A_174 = arith.constant 0 : i32
          %dma_wait3A_175 = tpu.memref_slice %arg6[%add3A_133, %dma_wait3A_174] : memref<48x128xi32, #tpu.memory_space<vmem>> -> memref<1x128xi32, #tpu.memory_space<vmem>>
          %dma_wait3A_176 = tpu.memref_squeeze %dma_wait3A_175 : memref<1x128xi32, #tpu.memory_space<vmem>> -> memref<128xi32, #tpu.memory_space<vmem>>
          %dma_wait3A_177 = arith.constant 0 : i32
          %dma_wait3A_178 = arith.constant 0 : i32
          %dma_wait3A_179 = tpu.memref_slice %arg9[%dma_wait3A_177, %dma_wait3A_178] : memref<10112x128xf32, #tpu.memory_space<vmem_shared>> -> memref<10112x128xf32, #tpu.memory_space<vmem_shared>>
          tpu.wait_indirect_dma semaphore(%run_scoped3A : memref<!tpu.dma_semaphore, #tpu.memory_space<semaphore_mem>>) src(%arg8 : memref<128x128xf32, #tpu.memory_space<vmem>>) dst(%dma_wait3A_179 : memref<10112x128xf32, #tpu.memory_space<vmem_shared>>)
          tpu.yield
        }) : () -> ()
        %add3A_158 = arith.constant 2 : i32
        %add3A_159 = arith.addi %add3A_133, %add3A_158 : i32
        %min3A_160 = arith.minsi %add3A_159, %sub3A_48 : i32
        %add3A_161 = arith.addi %add3A_41, %min3A_160 : i32
        %mul3A_162 = arith.constant 128 : i32
        %mul3A_163 = arith.muli %add3A_161, %mul3A_162 : i32
        %dma_start3A_164 = arith.constant 0 : i32
        %dma_start3A_165 = tpu.memref_slice %arg3[%mul3A_163, %dma_start3A_164] : memref<320000x128xf32, #tpu.memory_space<hbm>> -> memref<128x128xf32, #tpu.memory_space<hbm>>
        %dma_start3A_166 = arith.constant 0 : i32
        %dma_start3A_167 = tpu.memref_slice %arg3[%mul3A_163, %dma_start3A_166] : memref<320000x128xf32, #tpu.memory_space<hbm>> -> memref<128x128xf32, #tpu.memory_space<hbm>>
        tpu.enqueue_dma source(%dma_start3A_167 : memref<128x128xf32, #tpu.memory_space<hbm>>) target(%arg8 : memref<128x128xf32, #tpu.memory_space<vmem>>) target_semaphore(%arg11 : memref<!tpu.dma_semaphore, #tpu.memory_space<semaphore_mem>>)
      }
      %while3A_98 = arith.constant 1 : i32
      scf.for %while3A_129 = %while3A_96 to %while3A_92 step %while3A_98  : i32 {
        %mul3A_130 = arith.constant 2 : i32
        %mul3A_131 = arith.muli %mul3A_130, %while3A_129 : i32
        %add3A_132 = arith.constant 1 : i32
        %add3A_133 = arith.addi %mul3A_131, %add3A_132 : i32
        %add3A_134 = arith.addi %add3A_41, %mul3A_131 : i32
        %mul3A_135 = arith.constant 128 : i32
        %mul3A_136 = arith.muli %add3A_134, %mul3A_135 : i32
        %dma_wait3A_137 = arith.constant 0 : i32
        %dma_wait3A_138 = tpu.memref_slice %arg3[%mul3A_136, %dma_wait3A_137] : memref<320000x128xf32, #tpu.memory_space<hbm>> -> memref<128x128xf32, #tpu.memory_space<hbm>>
        %dma_wait3A_139 = arith.constant 0 : i32
        %dma_wait3A_140 = tpu.memref_slice %arg3[%mul3A_136, %dma_wait3A_139] : memref<320000x128xf32, #tpu.memory_space<hbm>> -> memref<128x128xf32, #tpu.memory_space<hbm>>
        tpu.wait_dma2 semaphore(%arg10 : memref<!tpu.dma_semaphore, #tpu.memory_space<semaphore_mem>>) src(%dma_wait3A_140 : memref<128x128xf32, #tpu.memory_space<hbm>>) dst(%arg7 : memref<128x128xf32, #tpu.memory_space<vmem>>)
        "tpu.region"() ({
          %run_scoped3A = tpu.sem_alloc : memref<!tpu.dma_semaphore, #tpu.memory_space<semaphore_mem>>
          %dma_start3A_168 = arith.constant 0 : i32
          %dma_start3A_169 = tpu.memref_slice %arg6[%mul3A_131, %dma_start3A_168] : memref<48x128xi32, #tpu.memory_space<vmem>> -> memref<1x128xi32, #tpu.memory_space<vmem>>
          %dma_start3A_170 = tpu.memref_squeeze %dma_start3A_169 : memref<1x128xi32, #tpu.memory_space<vmem>> -> memref<128xi32, #tpu.memory_space<vmem>>
          %dma_start3A_171 = arith.constant 0 : i32
          %dma_start3A_172 = arith.constant 0 : i32
          %dma_start3A_173 = tpu.memref_slice %arg9[%dma_start3A_171, %dma_start3A_172] : memref<10112x128xf32, #tpu.memory_space<vmem_shared>> -> memref<10112x128xf32, #tpu.memory_space<vmem_shared>>
          tpu.enqueue_indirect_dma source(%arg7 : memref<128x128xf32, #tpu.memory_space<vmem>>) target(%dma_start3A_173 : memref<10112x128xf32, #tpu.memory_space<vmem_shared>>) offsets(%dma_start3A_170 : memref<128xi32, #tpu.memory_space<vmem>>) semaphore(%run_scoped3A : memref<!tpu.dma_semaphore, #tpu.memory_space<semaphore_mem>>) {add = true}
          %dma_wait3A_174 = arith.constant 0 : i32
          %dma_wait3A_175 = tpu.memref_slice %arg6[%mul3A_131, %dma_wait3A_174] : memref<48x128xi32, #tpu.memory_space<vmem>> -> memref<1x128xi32, #tpu.memory_space<vmem>>
          %dma_wait3A_176 = tpu.memref_squeeze %dma_wait3A_175 : memref<1x128xi32, #tpu.memory_space<vmem>> -> memref<128xi32, #tpu.memory_space<vmem>>
          %dma_wait3A_177 = arith.constant 0 : i32
          %dma_wait3A_178 = arith.constant 0 : i32
          %dma_wait3A_179 = tpu.memref_slice %arg9[%dma_wait3A_177, %dma_wait3A_178] : memref<10112x128xf32, #tpu.memory_space<vmem_shared>> -> memref<10112x128xf32, #tpu.memory_space<vmem_shared>>
          tpu.wait_indirect_dma semaphore(%run_scoped3A : memref<!tpu.dma_semaphore, #tpu.memory_space<semaphore_mem>>) src(%arg7 : memref<128x128xf32, #tpu.memory_space<vmem>>) dst(%dma_wait3A_179 : memref<10112x128xf32, #tpu.memory_space<vmem_shared>>)
          tpu.yield
        }) : () -> ()
        %add3A_141 = arith.constant 2 : i32
        %add3A_142 = arith.addi %mul3A_131, %add3A_141 : i32
        %min3A_143 = arith.minsi %add3A_142, %sub3A_48 : i32
        %add3A_144 = arith.addi %add3A_41, %min3A_143 : i32
        %mul3A_145 = arith.constant 128 : i32
        %mul3A_146 = arith.muli %add3A_144, %mul3A_145 : i32
        %dma_start3A_147 = arith.constant 0 : i32
        %dma_start3A_148 = tpu.memref_slice %arg3[%mul3A_146, %dma_start3A_147] : memref<320000x128xf32, #tpu.memory_space<hbm>> -> memref<128x128xf32, #tpu.memory_space<hbm>>
        %dma_start3A_149 = arith.constant 0 : i32
        %dma_start3A_150 = tpu.memref_slice %arg3[%mul3A_146, %dma_start3A_149] : memref<320000x128xf32, #tpu.memory_space<hbm>> -> memref<128x128xf32, #tpu.memory_space<hbm>>
        tpu.enqueue_dma source(%dma_start3A_150 : memref<128x128xf32, #tpu.memory_space<hbm>>) target(%arg7 : memref<128x128xf32, #tpu.memory_space<vmem>>) target_semaphore(%arg10 : memref<!tpu.dma_semaphore, #tpu.memory_space<semaphore_mem>>)
        %add3A_151 = arith.addi %add3A_41, %add3A_133 : i32
        %mul3A_152 = arith.constant 128 : i32
        %mul3A_153 = arith.muli %add3A_151, %mul3A_152 : i32
        %dma_wait3A_154 = arith.constant 0 : i32
        %dma_wait3A_155 = tpu.memref_slice %arg3[%mul3A_153, %dma_wait3A_154] : memref<320000x128xf32, #tpu.memory_space<hbm>> -> memref<128x128xf32, #tpu.memory_space<hbm>>
        %dma_wait3A_156 = arith.constant 0 : i32
        %dma_wait3A_157 = tpu.memref_slice %arg3[%mul3A_153, %dma_wait3A_156] : memref<320000x128xf32, #tpu.memory_space<hbm>> -> memref<128x128xf32, #tpu.memory_space<hbm>>
        tpu.wait_dma2 semaphore(%arg11 : memref<!tpu.dma_semaphore, #tpu.memory_space<semaphore_mem>>) src(%dma_wait3A_157 : memref<128x128xf32, #tpu.memory_space<hbm>>) dst(%arg8 : memref<128x128xf32, #tpu.memory_space<vmem>>)
        "tpu.region"() ({
          %run_scoped3A = tpu.sem_alloc : memref<!tpu.dma_semaphore, #tpu.memory_space<semaphore_mem>>
          %dma_start3A_168 = arith.constant 0 : i32
          %dma_start3A_169 = tpu.memref_slice %arg6[%add3A_133, %dma_start3A_168] : memref<48x128xi32, #tpu.memory_space<vmem>> -> memref<1x128xi32, #tpu.memory_space<vmem>>
          %dma_start3A_170 = tpu.memref_squeeze %dma_start3A_169 : memref<1x128xi32, #tpu.memory_space<vmem>> -> memref<128xi32, #tpu.memory_space<vmem>>
          %dma_start3A_171 = arith.constant 0 : i32
          %dma_start3A_172 = arith.constant 0 : i32
          %dma_start3A_173 = tpu.memref_slice %arg9[%dma_start3A_171, %dma_start3A_172] : memref<10112x128xf32, #tpu.memory_space<vmem_shared>> -> memref<10112x128xf32, #tpu.memory_space<vmem_shared>>
          tpu.enqueue_indirect_dma source(%arg8 : memref<128x128xf32, #tpu.memory_space<vmem>>) target(%dma_start3A_173 : memref<10112x128xf32, #tpu.memory_space<vmem_shared>>) offsets(%dma_start3A_170 : memref<128xi32, #tpu.memory_space<vmem>>) semaphore(%run_scoped3A : memref<!tpu.dma_semaphore, #tpu.memory_space<semaphore_mem>>) {add = true}
          %dma_wait3A_174 = arith.constant 0 : i32
          %dma_wait3A_175 = tpu.memref_slice %arg6[%add3A_133, %dma_wait3A_174] : memref<48x128xi32, #tpu.memory_space<vmem>> -> memref<1x128xi32, #tpu.memory_space<vmem>>
          %dma_wait3A_176 = tpu.memref_squeeze %dma_wait3A_175 : memref<1x128xi32, #tpu.memory_space<vmem>> -> memref<128xi32, #tpu.memory_space<vmem>>
          %dma_wait3A_177 = arith.constant 0 : i32
          %dma_wait3A_178 = arith.constant 0 : i32
          %dma_wait3A_179 = tpu.memref_slice %arg9[%dma_wait3A_177, %dma_wait3A_178] : memref<10112x128xf32, #tpu.memory_space<vmem_shared>> -> memref<10112x128xf32, #tpu.memory_space<vmem_shared>>
          tpu.wait_indirect_dma semaphore(%run_scoped3A : memref<!tpu.dma_semaphore, #tpu.memory_space<semaphore_mem>>) src(%arg8 : memref<128x128xf32, #tpu.memory_space<vmem>>) dst(%dma_wait3A_179 : memref<10112x128xf32, #tpu.memory_space<vmem_shared>>)
          tpu.yield
        }) : () -> ()
        %add3A_158 = arith.constant 2 : i32
        %add3A_159 = arith.addi %add3A_133, %add3A_158 : i32
        %min3A_160 = arith.minsi %add3A_159, %sub3A_48 : i32
        %add3A_161 = arith.addi %add3A_41, %min3A_160 : i32
        %mul3A_162 = arith.constant 128 : i32
        %mul3A_163 = arith.muli %add3A_161, %mul3A_162 : i32
        %dma_start3A_164 = arith.constant 0 : i32
        %dma_start3A_165 = tpu.memref_slice %arg3[%mul3A_163, %dma_start3A_164] : memref<320000x128xf32, #tpu.memory_space<hbm>> -> memref<128x128xf32, #tpu.memory_space<hbm>>
        %dma_start3A_166 = arith.constant 0 : i32
        %dma_start3A_167 = tpu.memref_slice %arg3[%mul3A_163, %dma_start3A_166] : memref<320000x128xf32, #tpu.memory_space<hbm>> -> memref<128x128xf32, #tpu.memory_space<hbm>>
        tpu.enqueue_dma source(%dma_start3A_167 : memref<128x128xf32, #tpu.memory_space<hbm>>) target(%arg8 : memref<128x128xf32, #tpu.memory_space<vmem>>) target_semaphore(%arg11 : memref<!tpu.dma_semaphore, #tpu.memory_space<semaphore_mem>>)
      }
      %add3A_99 = arith.addi %add3A_41, %sub3A_48 : i32
      %mul3A_100 = arith.constant 128 : i32
      %mul3A_101 = arith.muli %add3A_99, %mul3A_100 : i32
      %dma_wait3A = arith.constant 0 : i32
      %dma_wait3A_102 = tpu.memref_slice %arg3[%mul3A_101, %dma_wait3A] : memref<320000x128xf32, #tpu.memory_space<hbm>> -> memref<128x128xf32, #tpu.memory_space<hbm>>
      %dma_wait3A_103 = arith.constant 0 : i32
      %dma_wait3A_104 = tpu.memref_slice %arg3[%mul3A_101, %dma_wait3A_103] : memref<320000x128xf32, #tpu.memory_space<hbm>> -> memref<128x128xf32, #tpu.memory_space<hbm>>
      tpu.wait_dma2 semaphore(%arg10 : memref<!tpu.dma_semaphore, #tpu.memory_space<semaphore_mem>>) src(%dma_wait3A_104 : memref<128x128xf32, #tpu.memory_space<hbm>>) dst(%arg7 : memref<128x128xf32, #tpu.memory_space<vmem>>)
      %jit3A_105 = arith.constant 2 : i32
      %eq3A = arith.constant 0 : i32
      %eq3A_106 = arith.cmpi eq, %jit3A_105, %eq3A : i32
      %jit3A_107 = arith.constant 1 : i32
      %select_n3A_108 = arith.select %eq3A_106, %jit3A_107, %jit3A_105 : i32
      %rem3A_109 = arith.remsi %min3A_46, %select_n3A_108 : i32
      %ne3A_110 = arith.constant 0 : i32
      %ne3A_111 = arith.cmpi ne, %rem3A_109, %ne3A_110 : i32
      %lt3A = arith.constant 0 : i32
      %lt3A_112 = arith.cmpi slt, %rem3A_109, %lt3A : i32
      %lt3A_113 = arith.constant 0 : i32
      %lt3A_114 = arith.cmpi slt, %select_n3A_108, %lt3A_113 : i32
      %ne3A_115 = arith.xori %lt3A_112, %lt3A_114 : i1
      %and3A_116 = arith.andi %ne3A_115, %ne3A_111 : i1
      %add3A_117 = arith.addi %rem3A_109, %select_n3A_108 : i32
      %select_n3A_118 = arith.select %and3A_116, %add3A_117, %rem3A_109 : i32
      %eq3A_119 = arith.constant 1 : i32
      %eq3A_120 = arith.cmpi eq, %select_n3A_118, %eq3A_119 : i32
      %convert_element_type3A = arith.extui %eq3A_120 : i1 to i32
      %cond3A = arith.constant 0 : i32
      %cond3A_121 = arith.cmpi ne, %convert_element_type3A, %cond3A : i32
      scf.if %cond3A_121 {
        "tpu.region"() ({
          %run_scoped3A = tpu.sem_alloc : memref<!tpu.dma_semaphore, #tpu.memory_space<semaphore_mem>>
          %dma_start3A_129 = arith.constant 0 : i32
          %dma_start3A_130 = tpu.memref_slice %arg6[%sub3A_48, %dma_start3A_129] : memref<48x128xi32, #tpu.memory_space<vmem>> -> memref<1x128xi32, #tpu.memory_space<vmem>>
          %dma_start3A_131 = tpu.memref_squeeze %dma_start3A_130 : memref<1x128xi32, #tpu.memory_space<vmem>> -> memref<128xi32, #tpu.memory_space<vmem>>
          %dma_start3A_132 = arith.constant 0 : i32
          %dma_start3A_133 = arith.constant 0 : i32
          %dma_start3A_134 = tpu.memref_slice %arg9[%dma_start3A_132, %dma_start3A_133] : memref<10112x128xf32, #tpu.memory_space<vmem_shared>> -> memref<10112x128xf32, #tpu.memory_space<vmem_shared>>
          tpu.enqueue_indirect_dma source(%arg7 : memref<128x128xf32, #tpu.memory_space<vmem>>) target(%dma_start3A_134 : memref<10112x128xf32, #tpu.memory_space<vmem_shared>>) offsets(%dma_start3A_131 : memref<128xi32, #tpu.memory_space<vmem>>) semaphore(%run_scoped3A : memref<!tpu.dma_semaphore, #tpu.memory_space<semaphore_mem>>) {add = true}
          %dma_wait3A_135 = arith.constant 0 : i32
          %dma_wait3A_136 = tpu.memref_slice %arg6[%sub3A_48, %dma_wait3A_135] : memref<48x128xi32, #tpu.memory_space<vmem>> -> memref<1x128xi32, #tpu.memory_space<vmem>>
          %dma_wait3A_137 = tpu.memref_squeeze %dma_wait3A_136 : memref<1x128xi32, #tpu.memory_space<vmem>> -> memref<128xi32, #tpu.memory_space<vmem>>
          %dma_wait3A_138 = arith.constant 0 : i32
          %dma_wait3A_139 = arith.constant 0 : i32
          %dma_wait3A_140 = tpu.memref_slice %arg9[%dma_wait3A_138, %dma_wait3A_139] : memref<10112x128xf32, #tpu.memory_space<vmem_shared>> -> memref<10112x128xf32, #tpu.memory_space<vmem_shared>>
          tpu.wait_indirect_dma semaphore(%run_scoped3A : memref<!tpu.dma_semaphore, #tpu.memory_space<semaphore_mem>>) src(%arg7 : memref<128x128xf32, #tpu.memory_space<vmem>>) dst(%dma_wait3A_140 : memref<10112x128xf32, #tpu.memory_space<vmem_shared>>)
          tpu.yield
        }) : () -> ()
      } else {
      }
      %add3A_122 = arith.addi %add3A_41, %sub3A_48 : i32
      %mul3A_123 = arith.constant 128 : i32
      %mul3A_124 = arith.muli %add3A_122, %mul3A_123 : i32
      %dma_wait3A_125 = arith.constant 0 : i32
      %dma_wait3A_126 = tpu.memref_slice %arg3[%mul3A_124, %dma_wait3A_125] : memref<320000x128xf32, #tpu.memory_space<hbm>> -> memref<128x128xf32, #tpu.memory_space<hbm>>
      %dma_wait3A_127 = arith.constant 0 : i32
      %dma_wait3A_128 = tpu.memref_slice %arg3[%mul3A_124, %dma_wait3A_127] : memref<320000x128xf32, #tpu.memory_space<hbm>> -> memref<128x128xf32, #tpu.memory_space<hbm>>
      tpu.wait_dma2 semaphore(%arg11 : memref<!tpu.dma_semaphore, #tpu.memory_space<semaphore_mem>>) src(%dma_wait3A_128 : memref<128x128xf32, #tpu.memory_space<hbm>>) dst(%arg8 : memref<128x128xf32, #tpu.memory_space<vmem>>)
    }
    %while3A_36 = arith.constant 1 : i32
    scf.for %while3A_38 = %while3A_34 to %while3A_30 step %while3A_36  : i32 {
      %mul3A_39 = arith.constant 48 : i32
      %mul3A_40 = arith.muli %while3A_38, %mul3A_39 : i32
      %add3A_41 = arith.addi %mul3A_4, %mul3A_40 : i32
      %mul3A_42 = arith.constant 48 : i32
      %mul3A_43 = arith.muli %while3A_38, %mul3A_42 : i32
      %sub3A_44 = arith.subi %min3A, %mul3A_43 : i32
      %min3A_45 = arith.constant 48 : i32
      %min3A_46 = arith.minsi %min3A_45, %sub3A_44 : i32
      %sub3A_47 = arith.constant 1 : i32
      %sub3A_48 = arith.subi %min3A_46, %sub3A_47 : i32
      "tpu.region"() ({
        %run_scoped3A = tpu.sem_alloc : memref<!tpu.dma_semaphore, #tpu.memory_space<semaphore_mem>>
        %dma_start3A_129 = arith.constant 0 : i32
        %dma_start3A_130 = tpu.memref_slice %arg2[%add3A_41, %dma_start3A_129] : memref<2560x128xi32, #tpu.memory_space<hbm>> -> memref<48x128xi32, #tpu.memory_space<hbm>>
        %dma_start3A_131 = arith.constant 0 : i32
        %dma_start3A_132 = tpu.memref_slice %arg2[%add3A_41, %dma_start3A_131] : memref<2560x128xi32, #tpu.memory_space<hbm>> -> memref<48x128xi32, #tpu.memory_space<hbm>>
        tpu.enqueue_dma source(%dma_start3A_132 : memref<48x128xi32, #tpu.memory_space<hbm>>) target(%arg6 : memref<48x128xi32, #tpu.memory_space<vmem>>) target_semaphore(%run_scoped3A : memref<!tpu.dma_semaphore, #tpu.memory_space<semaphore_mem>>)
        %dma_wait3A_133 = arith.constant 0 : i32
        %dma_wait3A_134 = tpu.memref_slice %arg2[%add3A_41, %dma_wait3A_133] : memref<2560x128xi32, #tpu.memory_space<hbm>> -> memref<48x128xi32, #tpu.memory_space<hbm>>
        %dma_wait3A_135 = arith.constant 0 : i32
        %dma_wait3A_136 = tpu.memref_slice %arg2[%add3A_41, %dma_wait3A_135] : memref<2560x128xi32, #tpu.memory_space<hbm>> -> memref<48x128xi32, #tpu.memory_space<hbm>>
        tpu.wait_dma2 semaphore(%run_scoped3A : memref<!tpu.dma_semaphore, #tpu.memory_space<semaphore_mem>>) src(%dma_wait3A_136 : memref<48x128xi32, #tpu.memory_space<hbm>>) dst(%arg6 : memref<48x128xi32, #tpu.memory_space<vmem>>)
        tpu.yield
      }) : () -> ()
      %add3A_49 = arith.constant 0 : i32
      %add3A_50 = arith.addi %add3A_41, %add3A_49 : i32
      %mul3A_51 = arith.constant 128 : i32
      %mul3A_52 = arith.muli %add3A_50, %mul3A_51 : i32
      %dma_start3A = arith.constant 0 : i32
      %dma_start3A_53 = tpu.memref_slice %arg3[%mul3A_52, %dma_start3A] : memref<320000x128xf32, #tpu.memory_space<hbm>> -> memref<128x128xf32, #tpu.memory_space<hbm>>
      %dma_start3A_54 = arith.constant 0 : i32
      %dma_start3A_55 = tpu.memref_slice %arg3[%mul3A_52, %dma_start3A_54] : memref<320000x128xf32, #tpu.memory_space<hbm>> -> memref<128x128xf32, #tpu.memory_space<hbm>>
      tpu.enqueue_dma source(%dma_start3A_55 : memref<128x128xf32, #tpu.memory_space<hbm>>) target(%arg7 : memref<128x128xf32, #tpu.memory_space<vmem>>) target_semaphore(%arg10 : memref<!tpu.dma_semaphore, #tpu.memory_space<semaphore_mem>>)
      %min3A_56 = arith.constant 1 : i32
      %min3A_57 = arith.minsi %min3A_56, %sub3A_48 : i32
      %add3A_58 = arith.addi %add3A_41, %min3A_57 : i32
      %mul3A_59 = arith.constant 128 : i32
      %mul3A_60 = arith.muli %add3A_58, %mul3A_59 : i32
      %dma_start3A_61 = arith.constant 0 : i32
      %dma_start3A_62 = tpu.memref_slice %arg3[%mul3A_60, %dma_start3A_61] : memref<320000x128xf32, #tpu.memory_space<hbm>> -> memref<128x128xf32, #tpu.memory_space<hbm>>
      %dma_start3A_63 = arith.constant 0 : i32
      %dma_start3A_64 = tpu.memref_slice %arg3[%mul3A_60, %dma_start3A_63] : memref<320000x128xf32, #tpu.memory_space<hbm>> -> memref<128x128xf32, #tpu.memory_space<hbm>>
      tpu.enqueue_dma source(%dma_start3A_64 : memref<128x128xf32, #tpu.memory_space<hbm>>) target(%arg8 : memref<128x128xf32, #tpu.memory_space<vmem>>) target_semaphore(%arg11 : memref<!tpu.dma_semaphore, #tpu.memory_space<semaphore_mem>>)
      %jit3A_65 = arith.constant 2 : i32
      %div3A_66 = arith.divsi %min3A_46, %jit3A_65 : i32
      %sign3A_67 = arith.constant 0 : i32
      %sign3A_68 = arith.cmpi sgt, %min3A_46, %sign3A_67 : i32
      %sign3A_69 = arith.extui %sign3A_68 : i1 to i32
      %sign3A_70 = arith.constant 0 : i32
      %sign3A_71 = arith.cmpi slt, %min3A_46, %sign3A_70 : i32
      %sign3A_72 = arith.extui %sign3A_71 : i1 to i32
      %sign3A_73 = arith.subi %sign3A_69, %sign3A_72 : i32
      %sign3A_74 = arith.constant 0 : i32
      %sign3A_75 = arith.cmpi sgt, %jit3A_65, %sign3A_74 : i32
      %sign3A_76 = arith.extui %sign3A_75 : i1 to i32
      %sign3A_77 = arith.constant 0 : i32
      %sign3A_78 = arith.cmpi slt, %jit3A_65, %sign3A_77 : i32
      %sign3A_79 = arith.extui %sign3A_78 : i1 to i32
      %sign3A_80 = arith.subi %sign3A_76, %sign3A_79 : i32
      %ne3A_81 = arith.cmpi ne, %sign3A_73, %sign3A_80 : i32
      %rem3A_82 = arith.remsi %min3A_46, %jit3A_65 : i32
      %ne3A_83 = arith.constant 0 : i32
      %ne3A_84 = arith.cmpi ne, %rem3A_82, %ne3A_83 : i32
      %and3A_85 = arith.andi %ne3A_81, %ne3A_84 : i1
      %sub3A_86 = arith.constant 1 : i32
      %sub3A_87 = arith.subi %div3A_66, %sub3A_86 : i32
      %select_n3A_88 = arith.select %and3A_85, %sub3A_87, %div3A_66 : i32
      %while3A_89 = arith.constant 0 : i32
      %while3A_90 = arith.constant 0 : i32
      %while3A_91 = arith.subi %select_n3A_88, %while3A_90 : i32
      %while3A_92 = arith.addi %while3A_90, %while3A_91 : i32
      %while3A_93 = arith.constant 1 : i32
      %while3A_94 = arith.divsi %while3A_91, %while3A_93 : i32
      %while3A_95 = arith.muli %while3A_94, %while3A_93 : i32
      %while3A_96 = arith.addi %while3A_90, %while3A_95 : i32
      %while3A_97 = arith.constant 1 : i32
      scf.for %while3A_129 = %while3A_90 to %while3A_96 step %while3A_97  : i32 {
        %mul3A_130 = arith.constant 2 : i32
        %mul3A_131 = arith.muli %mul3A_130, %while3A_129 : i32
        %add3A_132 = arith.constant 1 : i32
        %add3A_133 = arith.addi %mul3A_131, %add3A_132 : i32
        %add3A_134 = arith.addi %add3A_41, %mul3A_131 : i32
        %mul3A_135 = arith.constant 128 : i32
        %mul3A_136 = arith.muli %add3A_134, %mul3A_135 : i32
        %dma_wait3A_137 = arith.constant 0 : i32
        %dma_wait3A_138 = tpu.memref_slice %arg3[%mul3A_136, %dma_wait3A_137] : memref<320000x128xf32, #tpu.memory_space<hbm>> -> memref<128x128xf32, #tpu.memory_space<hbm>>
        %dma_wait3A_139 = arith.constant 0 : i32
        %dma_wait3A_140 = tpu.memref_slice %arg3[%mul3A_136, %dma_wait3A_139] : memref<320000x128xf32, #tpu.memory_space<hbm>> -> memref<128x128xf32, #tpu.memory_space<hbm>>
        tpu.wait_dma2 semaphore(%arg10 : memref<!tpu.dma_semaphore, #tpu.memory_space<semaphore_mem>>) src(%dma_wait3A_140 : memref<128x128xf32, #tpu.memory_space<hbm>>) dst(%arg7 : memref<128x128xf32, #tpu.memory_space<vmem>>)
        "tpu.region"() ({
          %run_scoped3A = tpu.sem_alloc : memref<!tpu.dma_semaphore, #tpu.memory_space<semaphore_mem>>
          %dma_start3A_168 = arith.constant 0 : i32
          %dma_start3A_169 = tpu.memref_slice %arg6[%mul3A_131, %dma_start3A_168] : memref<48x128xi32, #tpu.memory_space<vmem>> -> memref<1x128xi32, #tpu.memory_space<vmem>>
          %dma_start3A_170 = tpu.memref_squeeze %dma_start3A_169 : memref<1x128xi32, #tpu.memory_space<vmem>> -> memref<128xi32, #tpu.memory_space<vmem>>
          %dma_start3A_171 = arith.constant 0 : i32
          %dma_start3A_172 = arith.constant 0 : i32
          %dma_start3A_173 = tpu.memref_slice %arg9[%dma_start3A_171, %dma_start3A_172] : memref<10112x128xf32, #tpu.memory_space<vmem_shared>> -> memref<10112x128xf32, #tpu.memory_space<vmem_shared>>
          tpu.enqueue_indirect_dma source(%arg7 : memref<128x128xf32, #tpu.memory_space<vmem>>) target(%dma_start3A_173 : memref<10112x128xf32, #tpu.memory_space<vmem_shared>>) offsets(%dma_start3A_170 : memref<128xi32, #tpu.memory_space<vmem>>) semaphore(%run_scoped3A : memref<!tpu.dma_semaphore, #tpu.memory_space<semaphore_mem>>) {add = true}
          %dma_wait3A_174 = arith.constant 0 : i32
          %dma_wait3A_175 = tpu.memref_slice %arg6[%mul3A_131, %dma_wait3A_174] : memref<48x128xi32, #tpu.memory_space<vmem>> -> memref<1x128xi32, #tpu.memory_space<vmem>>
          %dma_wait3A_176 = tpu.memref_squeeze %dma_wait3A_175 : memref<1x128xi32, #tpu.memory_space<vmem>> -> memref<128xi32, #tpu.memory_space<vmem>>
          %dma_wait3A_177 = arith.constant 0 : i32
          %dma_wait3A_178 = arith.constant 0 : i32
          %dma_wait3A_179 = tpu.memref_slice %arg9[%dma_wait3A_177, %dma_wait3A_178] : memref<10112x128xf32, #tpu.memory_space<vmem_shared>> -> memref<10112x128xf32, #tpu.memory_space<vmem_shared>>
          tpu.wait_indirect_dma semaphore(%run_scoped3A : memref<!tpu.dma_semaphore, #tpu.memory_space<semaphore_mem>>) src(%arg7 : memref<128x128xf32, #tpu.memory_space<vmem>>) dst(%dma_wait3A_179 : memref<10112x128xf32, #tpu.memory_space<vmem_shared>>)
          tpu.yield
        }) : () -> ()
        %add3A_141 = arith.constant 2 : i32
        %add3A_142 = arith.addi %mul3A_131, %add3A_141 : i32
        %min3A_143 = arith.minsi %add3A_142, %sub3A_48 : i32
        %add3A_144 = arith.addi %add3A_41, %min3A_143 : i32
        %mul3A_145 = arith.constant 128 : i32
        %mul3A_146 = arith.muli %add3A_144, %mul3A_145 : i32
        %dma_start3A_147 = arith.constant 0 : i32
        %dma_start3A_148 = tpu.memref_slice %arg3[%mul3A_146, %dma_start3A_147] : memref<320000x128xf32, #tpu.memory_space<hbm>> -> memref<128x128xf32, #tpu.memory_space<hbm>>
        %dma_start3A_149 = arith.constant 0 : i32
        %dma_start3A_150 = tpu.memref_slice %arg3[%mul3A_146, %dma_start3A_149] : memref<320000x128xf32, #tpu.memory_space<hbm>> -> memref<128x128xf32, #tpu.memory_space<hbm>>
        tpu.enqueue_dma source(%dma_start3A_150 : memref<128x128xf32, #tpu.memory_space<hbm>>) target(%arg7 : memref<128x128xf32, #tpu.memory_space<vmem>>) target_semaphore(%arg10 : memref<!tpu.dma_semaphore, #tpu.memory_space<semaphore_mem>>)
        %add3A_151 = arith.addi %add3A_41, %add3A_133 : i32
        %mul3A_152 = arith.constant 128 : i32
        %mul3A_153 = arith.muli %add3A_151, %mul3A_152 : i32
        %dma_wait3A_154 = arith.constant 0 : i32
        %dma_wait3A_155 = tpu.memref_slice %arg3[%mul3A_153, %dma_wait3A_154] : memref<320000x128xf32, #tpu.memory_space<hbm>> -> memref<128x128xf32, #tpu.memory_space<hbm>>
        %dma_wait3A_156 = arith.constant 0 : i32
        %dma_wait3A_157 = tpu.memref_slice %arg3[%mul3A_153, %dma_wait3A_156] : memref<320000x128xf32, #tpu.memory_space<hbm>> -> memref<128x128xf32, #tpu.memory_space<hbm>>
        tpu.wait_dma2 semaphore(%arg11 : memref<!tpu.dma_semaphore, #tpu.memory_space<semaphore_mem>>) src(%dma_wait3A_157 : memref<128x128xf32, #tpu.memory_space<hbm>>) dst(%arg8 : memref<128x128xf32, #tpu.memory_space<vmem>>)
        "tpu.region"() ({
          %run_scoped3A = tpu.sem_alloc : memref<!tpu.dma_semaphore, #tpu.memory_space<semaphore_mem>>
          %dma_start3A_168 = arith.constant 0 : i32
          %dma_start3A_169 = tpu.memref_slice %arg6[%add3A_133, %dma_start3A_168] : memref<48x128xi32, #tpu.memory_space<vmem>> -> memref<1x128xi32, #tpu.memory_space<vmem>>
          %dma_start3A_170 = tpu.memref_squeeze %dma_start3A_169 : memref<1x128xi32, #tpu.memory_space<vmem>> -> memref<128xi32, #tpu.memory_space<vmem>>
          %dma_start3A_171 = arith.constant 0 : i32
          %dma_start3A_172 = arith.constant 0 : i32
          %dma_start3A_173 = tpu.memref_slice %arg9[%dma_start3A_171, %dma_start3A_172] : memref<10112x128xf32, #tpu.memory_space<vmem_shared>> -> memref<10112x128xf32, #tpu.memory_space<vmem_shared>>
          tpu.enqueue_indirect_dma source(%arg8 : memref<128x128xf32, #tpu.memory_space<vmem>>) target(%dma_start3A_173 : memref<10112x128xf32, #tpu.memory_space<vmem_shared>>) offsets(%dma_start3A_170 : memref<128xi32, #tpu.memory_space<vmem>>) semaphore(%run_scoped3A : memref<!tpu.dma_semaphore, #tpu.memory_space<semaphore_mem>>) {add = true}
          %dma_wait3A_174 = arith.constant 0 : i32
          %dma_wait3A_175 = tpu.memref_slice %arg6[%add3A_133, %dma_wait3A_174] : memref<48x128xi32, #tpu.memory_space<vmem>> -> memref<1x128xi32, #tpu.memory_space<vmem>>
          %dma_wait3A_176 = tpu.memref_squeeze %dma_wait3A_175 : memref<1x128xi32, #tpu.memory_space<vmem>> -> memref<128xi32, #tpu.memory_space<vmem>>
          %dma_wait3A_177 = arith.constant 0 : i32
          %dma_wait3A_178 = arith.constant 0 : i32
          %dma_wait3A_179 = tpu.memref_slice %arg9[%dma_wait3A_177, %dma_wait3A_178] : memref<10112x128xf32, #tpu.memory_space<vmem_shared>> -> memref<10112x128xf32, #tpu.memory_space<vmem_shared>>
          tpu.wait_indirect_dma semaphore(%run_scoped3A : memref<!tpu.dma_semaphore, #tpu.memory_space<semaphore_mem>>) src(%arg8 : memref<128x128xf32, #tpu.memory_space<vmem>>) dst(%dma_wait3A_179 : memref<10112x128xf32, #tpu.memory_space<vmem_shared>>)
          tpu.yield
        }) : () -> ()
        %add3A_158 = arith.constant 2 : i32
        %add3A_159 = arith.addi %add3A_133, %add3A_158 : i32
        %min3A_160 = arith.minsi %add3A_159, %sub3A_48 : i32
        %add3A_161 = arith.addi %add3A_41, %min3A_160 : i32
        %mul3A_162 = arith.constant 128 : i32
        %mul3A_163 = arith.muli %add3A_161, %mul3A_162 : i32
        %dma_start3A_164 = arith.constant 0 : i32
        %dma_start3A_165 = tpu.memref_slice %arg3[%mul3A_163, %dma_start3A_164] : memref<320000x128xf32, #tpu.memory_space<hbm>> -> memref<128x128xf32, #tpu.memory_space<hbm>>
        %dma_start3A_166 = arith.constant 0 : i32
        %dma_start3A_167 = tpu.memref_slice %arg3[%mul3A_163, %dma_start3A_166] : memref<320000x128xf32, #tpu.memory_space<hbm>> -> memref<128x128xf32, #tpu.memory_space<hbm>>
        tpu.enqueue_dma source(%dma_start3A_167 : memref<128x128xf32, #tpu.memory_space<hbm>>) target(%arg8 : memref<128x128xf32, #tpu.memory_space<vmem>>) target_semaphore(%arg11 : memref<!tpu.dma_semaphore, #tpu.memory_space<semaphore_mem>>)
      }
      %while3A_98 = arith.constant 1 : i32
      scf.for %while3A_129 = %while3A_96 to %while3A_92 step %while3A_98  : i32 {
        %mul3A_130 = arith.constant 2 : i32
        %mul3A_131 = arith.muli %mul3A_130, %while3A_129 : i32
        %add3A_132 = arith.constant 1 : i32
        %add3A_133 = arith.addi %mul3A_131, %add3A_132 : i32
        %add3A_134 = arith.addi %add3A_41, %mul3A_131 : i32
        %mul3A_135 = arith.constant 128 : i32
        %mul3A_136 = arith.muli %add3A_134, %mul3A_135 : i32
        %dma_wait3A_137 = arith.constant 0 : i32
        %dma_wait3A_138 = tpu.memref_slice %arg3[%mul3A_136, %dma_wait3A_137] : memref<320000x128xf32, #tpu.memory_space<hbm>> -> memref<128x128xf32, #tpu.memory_space<hbm>>
        %dma_wait3A_139 = arith.constant 0 : i32
        %dma_wait3A_140 = tpu.memref_slice %arg3[%mul3A_136, %dma_wait3A_139] : memref<320000x128xf32, #tpu.memory_space<hbm>> -> memref<128x128xf32, #tpu.memory_space<hbm>>
        tpu.wait_dma2 semaphore(%arg10 : memref<!tpu.dma_semaphore, #tpu.memory_space<semaphore_mem>>) src(%dma_wait3A_140 : memref<128x128xf32, #tpu.memory_space<hbm>>) dst(%arg7 : memref<128x128xf32, #tpu.memory_space<vmem>>)
        "tpu.region"() ({
          %run_scoped3A = tpu.sem_alloc : memref<!tpu.dma_semaphore, #tpu.memory_space<semaphore_mem>>
          %dma_start3A_168 = arith.constant 0 : i32
          %dma_start3A_169 = tpu.memref_slice %arg6[%mul3A_131, %dma_start3A_168] : memref<48x128xi32, #tpu.memory_space<vmem>> -> memref<1x128xi32, #tpu.memory_space<vmem>>
          %dma_start3A_170 = tpu.memref_squeeze %dma_start3A_169 : memref<1x128xi32, #tpu.memory_space<vmem>> -> memref<128xi32, #tpu.memory_space<vmem>>
          %dma_start3A_171 = arith.constant 0 : i32
          %dma_start3A_172 = arith.constant 0 : i32
          %dma_start3A_173 = tpu.memref_slice %arg9[%dma_start3A_171, %dma_start3A_172] : memref<10112x128xf32, #tpu.memory_space<vmem_shared>> -> memref<10112x128xf32, #tpu.memory_space<vmem_shared>>
          tpu.enqueue_indirect_dma source(%arg7 : memref<128x128xf32, #tpu.memory_space<vmem>>) target(%dma_start3A_173 : memref<10112x128xf32, #tpu.memory_space<vmem_shared>>) offsets(%dma_start3A_170 : memref<128xi32, #tpu.memory_space<vmem>>) semaphore(%run_scoped3A : memref<!tpu.dma_semaphore, #tpu.memory_space<semaphore_mem>>) {add = true}
          %dma_wait3A_174 = arith.constant 0 : i32
          %dma_wait3A_175 = tpu.memref_slice %arg6[%mul3A_131, %dma_wait3A_174] : memref<48x128xi32, #tpu.memory_space<vmem>> -> memref<1x128xi32, #tpu.memory_space<vmem>>
          %dma_wait3A_176 = tpu.memref_squeeze %dma_wait3A_175 : memref<1x128xi32, #tpu.memory_space<vmem>> -> memref<128xi32, #tpu.memory_space<vmem>>
          %dma_wait3A_177 = arith.constant 0 : i32
          %dma_wait3A_178 = arith.constant 0 : i32
          %dma_wait3A_179 = tpu.memref_slice %arg9[%dma_wait3A_177, %dma_wait3A_178] : memref<10112x128xf32, #tpu.memory_space<vmem_shared>> -> memref<10112x128xf32, #tpu.memory_space<vmem_shared>>
          tpu.wait_indirect_dma semaphore(%run_scoped3A : memref<!tpu.dma_semaphore, #tpu.memory_space<semaphore_mem>>) src(%arg7 : memref<128x128xf32, #tpu.memory_space<vmem>>) dst(%dma_wait3A_179 : memref<10112x128xf32, #tpu.memory_space<vmem_shared>>)
          tpu.yield
        }) : () -> ()
        %add3A_141 = arith.constant 2 : i32
        %add3A_142 = arith.addi %mul3A_131, %add3A_141 : i32
        %min3A_143 = arith.minsi %add3A_142, %sub3A_48 : i32
        %add3A_144 = arith.addi %add3A_41, %min3A_143 : i32
        %mul3A_145 = arith.constant 128 : i32
        %mul3A_146 = arith.muli %add3A_144, %mul3A_145 : i32
        %dma_start3A_147 = arith.constant 0 : i32
        %dma_start3A_148 = tpu.memref_slice %arg3[%mul3A_146, %dma_start3A_147] : memref<320000x128xf32, #tpu.memory_space<hbm>> -> memref<128x128xf32, #tpu.memory_space<hbm>>
        %dma_start3A_149 = arith.constant 0 : i32
        %dma_start3A_150 = tpu.memref_slice %arg3[%mul3A_146, %dma_start3A_149] : memref<320000x128xf32, #tpu.memory_space<hbm>> -> memref<128x128xf32, #tpu.memory_space<hbm>>
        tpu.enqueue_dma source(%dma_start3A_150 : memref<128x128xf32, #tpu.memory_space<hbm>>) target(%arg7 : memref<128x128xf32, #tpu.memory_space<vmem>>) target_semaphore(%arg10 : memref<!tpu.dma_semaphore, #tpu.memory_space<semaphore_mem>>)
        %add3A_151 = arith.addi %add3A_41, %add3A_133 : i32
        %mul3A_152 = arith.constant 128 : i32
        %mul3A_153 = arith.muli %add3A_151, %mul3A_152 : i32
        %dma_wait3A_154 = arith.constant 0 : i32
        %dma_wait3A_155 = tpu.memref_slice %arg3[%mul3A_153, %dma_wait3A_154] : memref<320000x128xf32, #tpu.memory_space<hbm>> -> memref<128x128xf32, #tpu.memory_space<hbm>>
        %dma_wait3A_156 = arith.constant 0 : i32
        %dma_wait3A_157 = tpu.memref_slice %arg3[%mul3A_153, %dma_wait3A_156] : memref<320000x128xf32, #tpu.memory_space<hbm>> -> memref<128x128xf32, #tpu.memory_space<hbm>>
        tpu.wait_dma2 semaphore(%arg11 : memref<!tpu.dma_semaphore, #tpu.memory_space<semaphore_mem>>) src(%dma_wait3A_157 : memref<128x128xf32, #tpu.memory_space<hbm>>) dst(%arg8 : memref<128x128xf32, #tpu.memory_space<vmem>>)
        "tpu.region"() ({
          %run_scoped3A = tpu.sem_alloc : memref<!tpu.dma_semaphore, #tpu.memory_space<semaphore_mem>>
          %dma_start3A_168 = arith.constant 0 : i32
          %dma_start3A_169 = tpu.memref_slice %arg6[%add3A_133, %dma_start3A_168] : memref<48x128xi32, #tpu.memory_space<vmem>> -> memref<1x128xi32, #tpu.memory_space<vmem>>
          %dma_start3A_170 = tpu.memref_squeeze %dma_start3A_169 : memref<1x128xi32, #tpu.memory_space<vmem>> -> memref<128xi32, #tpu.memory_space<vmem>>
          %dma_start3A_171 = arith.constant 0 : i32
          %dma_start3A_172 = arith.constant 0 : i32
          %dma_start3A_173 = tpu.memref_slice %arg9[%dma_start3A_171, %dma_start3A_172] : memref<10112x128xf32, #tpu.memory_space<vmem_shared>> -> memref<10112x128xf32, #tpu.memory_space<vmem_shared>>
          tpu.enqueue_indirect_dma source(%arg8 : memref<128x128xf32, #tpu.memory_space<vmem>>) target(%dma_start3A_173 : memref<10112x128xf32, #tpu.memory_space<vmem_shared>>) offsets(%dma_start3A_170 : memref<128xi32, #tpu.memory_space<vmem>>) semaphore(%run_scoped3A : memref<!tpu.dma_semaphore, #tpu.memory_space<semaphore_mem>>) {add = true}
          %dma_wait3A_174 = arith.constant 0 : i32
          %dma_wait3A_175 = tpu.memref_slice %arg6[%add3A_133, %dma_wait3A_174] : memref<48x128xi32, #tpu.memory_space<vmem>> -> memref<1x128xi32, #tpu.memory_space<vmem>>
          %dma_wait3A_176 = tpu.memref_squeeze %dma_wait3A_175 : memref<1x128xi32, #tpu.memory_space<vmem>> -> memref<128xi32, #tpu.memory_space<vmem>>
          %dma_wait3A_177 = arith.constant 0 : i32
          %dma_wait3A_178 = arith.constant 0 : i32
          %dma_wait3A_179 = tpu.memref_slice %arg9[%dma_wait3A_177, %dma_wait3A_178] : memref<10112x128xf32, #tpu.memory_space<vmem_shared>> -> memref<10112x128xf32, #tpu.memory_space<vmem_shared>>
          tpu.wait_indirect_dma semaphore(%run_scoped3A : memref<!tpu.dma_semaphore, #tpu.memory_space<semaphore_mem>>) src(%arg8 : memref<128x128xf32, #tpu.memory_space<vmem>>) dst(%dma_wait3A_179 : memref<10112x128xf32, #tpu.memory_space<vmem_shared>>)
          tpu.yield
        }) : () -> ()
        %add3A_158 = arith.constant 2 : i32
        %add3A_159 = arith.addi %add3A_133, %add3A_158 : i32
        %min3A_160 = arith.minsi %add3A_159, %sub3A_48 : i32
        %add3A_161 = arith.addi %add3A_41, %min3A_160 : i32
        %mul3A_162 = arith.constant 128 : i32
        %mul3A_163 = arith.muli %add3A_161, %mul3A_162 : i32
        %dma_start3A_164 = arith.constant 0 : i32
        %dma_start3A_165 = tpu.memref_slice %arg3[%mul3A_163, %dma_start3A_164] : memref<320000x128xf32, #tpu.memory_space<hbm>> -> memref<128x128xf32, #tpu.memory_space<hbm>>
        %dma_start3A_166 = arith.constant 0 : i32
        %dma_start3A_167 = tpu.memref_slice %arg3[%mul3A_163, %dma_start3A_166] : memref<320000x128xf32, #tpu.memory_space<hbm>> -> memref<128x128xf32, #tpu.memory_space<hbm>>
        tpu.enqueue_dma source(%dma_start3A_167 : memref<128x128xf32, #tpu.memory_space<hbm>>) target(%arg8 : memref<128x128xf32, #tpu.memory_space<vmem>>) target_semaphore(%arg11 : memref<!tpu.dma_semaphore, #tpu.memory_space<semaphore_mem>>)
      }
      %add3A_99 = arith.addi %add3A_41, %sub3A_48 : i32
      %mul3A_100 = arith.constant 128 : i32
      %mul3A_101 = arith.muli %add3A_99, %mul3A_100 : i32
      %dma_wait3A = arith.constant 0 : i32
      %dma_wait3A_102 = tpu.memref_slice %arg3[%mul3A_101, %dma_wait3A] : memref<320000x128xf32, #tpu.memory_space<hbm>> -> memref<128x128xf32, #tpu.memory_space<hbm>>
      %dma_wait3A_103 = arith.constant 0 : i32
      %dma_wait3A_104 = tpu.memref_slice %arg3[%mul3A_101, %dma_wait3A_103] : memref<320000x128xf32, #tpu.memory_space<hbm>> -> memref<128x128xf32, #tpu.memory_space<hbm>>
      tpu.wait_dma2 semaphore(%arg10 : memref<!tpu.dma_semaphore, #tpu.memory_space<semaphore_mem>>) src(%dma_wait3A_104 : memref<128x128xf32, #tpu.memory_space<hbm>>) dst(%arg7 : memref<128x128xf32, #tpu.memory_space<vmem>>)
      %jit3A_105 = arith.constant 2 : i32
      %eq3A = arith.constant 0 : i32
      %eq3A_106 = arith.cmpi eq, %jit3A_105, %eq3A : i32
      %jit3A_107 = arith.constant 1 : i32
      %select_n3A_108 = arith.select %eq3A_106, %jit3A_107, %jit3A_105 : i32
      %rem3A_109 = arith.remsi %min3A_46, %select_n3A_108 : i32
      %ne3A_110 = arith.constant 0 : i32
      %ne3A_111 = arith.cmpi ne, %rem3A_109, %ne3A_110 : i32
      %lt3A = arith.constant 0 : i32
      %lt3A_112 = arith.cmpi slt, %rem3A_109, %lt3A : i32
      %lt3A_113 = arith.constant 0 : i32
      %lt3A_114 = arith.cmpi slt, %select_n3A_108, %lt3A_113 : i32
      %ne3A_115 = arith.xori %lt3A_112, %lt3A_114 : i1
      %and3A_116 = arith.andi %ne3A_115, %ne3A_111 : i1
      %add3A_117 = arith.addi %rem3A_109, %select_n3A_108 : i32
      %select_n3A_118 = arith.select %and3A_116, %add3A_117, %rem3A_109 : i32
      %eq3A_119 = arith.constant 1 : i32
      %eq3A_120 = arith.cmpi eq, %select_n3A_118, %eq3A_119 : i32
      %convert_element_type3A = arith.extui %eq3A_120 : i1 to i32
      %cond3A = arith.constant 0 : i32
      %cond3A_121 = arith.cmpi ne, %convert_element_type3A, %cond3A : i32
      scf.if %cond3A_121 {
        "tpu.region"() ({
          %run_scoped3A = tpu.sem_alloc : memref<!tpu.dma_semaphore, #tpu.memory_space<semaphore_mem>>
          %dma_start3A_129 = arith.constant 0 : i32
          %dma_start3A_130 = tpu.memref_slice %arg6[%sub3A_48, %dma_start3A_129] : memref<48x128xi32, #tpu.memory_space<vmem>> -> memref<1x128xi32, #tpu.memory_space<vmem>>
          %dma_start3A_131 = tpu.memref_squeeze %dma_start3A_130 : memref<1x128xi32, #tpu.memory_space<vmem>> -> memref<128xi32, #tpu.memory_space<vmem>>
          %dma_start3A_132 = arith.constant 0 : i32
          %dma_start3A_133 = arith.constant 0 : i32
          %dma_start3A_134 = tpu.memref_slice %arg9[%dma_start3A_132, %dma_start3A_133] : memref<10112x128xf32, #tpu.memory_space<vmem_shared>> -> memref<10112x128xf32, #tpu.memory_space<vmem_shared>>
          tpu.enqueue_indirect_dma source(%arg7 : memref<128x128xf32, #tpu.memory_space<vmem>>) target(%dma_start3A_134 : memref<10112x128xf32, #tpu.memory_space<vmem_shared>>) offsets(%dma_start3A_131 : memref<128xi32, #tpu.memory_space<vmem>>) semaphore(%run_scoped3A : memref<!tpu.dma_semaphore, #tpu.memory_space<semaphore_mem>>) {add = true}
          %dma_wait3A_135 = arith.constant 0 : i32
          %dma_wait3A_136 = tpu.memref_slice %arg6[%sub3A_48, %dma_wait3A_135] : memref<48x128xi32, #tpu.memory_space<vmem>> -> memref<1x128xi32, #tpu.memory_space<vmem>>
          %dma_wait3A_137 = tpu.memref_squeeze %dma_wait3A_136 : memref<1x128xi32, #tpu.memory_space<vmem>> -> memref<128xi32, #tpu.memory_space<vmem>>
          %dma_wait3A_138 = arith.constant 0 : i32
          %dma_wait3A_139 = arith.constant 0 : i32
          %dma_wait3A_140 = tpu.memref_slice %arg9[%dma_wait3A_138, %dma_wait3A_139] : memref<10112x128xf32, #tpu.memory_space<vmem_shared>> -> memref<10112x128xf32, #tpu.memory_space<vmem_shared>>
          tpu.wait_indirect_dma semaphore(%run_scoped3A : memref<!tpu.dma_semaphore, #tpu.memory_space<semaphore_mem>>) src(%arg7 : memref<128x128xf32, #tpu.memory_space<vmem>>) dst(%dma_wait3A_140 : memref<10112x128xf32, #tpu.memory_space<vmem_shared>>)
          tpu.yield
        }) : () -> ()
      } else {
      }
      %add3A_122 = arith.addi %add3A_41, %sub3A_48 : i32
      %mul3A_123 = arith.constant 128 : i32
      %mul3A_124 = arith.muli %add3A_122, %mul3A_123 : i32
      %dma_wait3A_125 = arith.constant 0 : i32
      %dma_wait3A_126 = tpu.memref_slice %arg3[%mul3A_124, %dma_wait3A_125] : memref<320000x128xf32, #tpu.memory_space<hbm>> -> memref<128x128xf32, #tpu.memory_space<hbm>>
      %dma_wait3A_127 = arith.constant 0 : i32
      %dma_wait3A_128 = tpu.memref_slice %arg3[%mul3A_124, %dma_wait3A_127] : memref<320000x128xf32, #tpu.memory_space<hbm>> -> memref<128x128xf32, #tpu.memory_space<hbm>>
      tpu.wait_dma2 semaphore(%arg11 : memref<!tpu.dma_semaphore, #tpu.memory_space<semaphore_mem>>) src(%dma_wait3A_128 : memref<128x128xf32, #tpu.memory_space<hbm>>) dst(%arg8 : memref<128x128xf32, #tpu.memory_space<vmem>>)
    }
    %barrier3A_37 = arith.constant 0 : index
    tpu.barrier barrier_id(%barrier3A_37)
    "tpu.region"() ({
      %run_scoped3A = tpu.sem_alloc : memref<!tpu.dma_semaphore, #tpu.memory_space<semaphore_mem>>
      %dma_start3A = arith.constant 0 : i32
      %dma_start3A_38 = tpu.memref_slice %arg5[%arg0, %mul3A_0, %dma_start3A] : memref<2x10112x128xf32, #tpu.memory_space<hbm>> -> memref<1x632x128xf32, #tpu.memory_space<hbm>>
      %dma_start3A_39 = tpu.memref_squeeze %dma_start3A_38 : memref<1x632x128xf32, #tpu.memory_space<hbm>> -> memref<632x128xf32, #tpu.memory_space<hbm>>
      %dma_start3A_40 = arith.constant 0 : i32
      %dma_start3A_41 = tpu.memref_slice %arg9[%mul3A_0, %dma_start3A_40] : memref<10112x128xf32, #tpu.memory_space<vmem_shared>> -> memref<632x128xf32, #tpu.memory_space<vmem_shared>>
      tpu.enqueue_dma source(%dma_start3A_41 : memref<632x128xf32, #tpu.memory_space<vmem_shared>>) target(%dma_start3A_39 : memref<632x128xf32, #tpu.memory_space<hbm>>) target_semaphore(%run_scoped3A : memref<!tpu.dma_semaphore, #tpu.memory_space<semaphore_mem>>)
      %dma_wait3A = arith.constant 0 : i32
      %dma_wait3A_42 = tpu.memref_slice %arg5[%arg0, %mul3A_0, %dma_wait3A] : memref<2x10112x128xf32, #tpu.memory_space<hbm>> -> memref<1x632x128xf32, #tpu.memory_space<hbm>>
      %dma_wait3A_43 = tpu.memref_squeeze %dma_wait3A_42 : memref<1x632x128xf32, #tpu.memory_space<hbm>> -> memref<632x128xf32, #tpu.memory_space<hbm>>
      %dma_wait3A_44 = arith.constant 0 : i32
      %dma_wait3A_45 = tpu.memref_slice %arg9[%mul3A_0, %dma_wait3A_44] : memref<10112x128xf32, #tpu.memory_space<vmem_shared>> -> memref<632x128xf32, #tpu.memory_space<vmem_shared>>
      tpu.wait_dma2 semaphore(%run_scoped3A : memref<!tpu.dma_semaphore, #tpu.memory_space<semaphore_mem>>) src(%dma_wait3A_45 : memref<632x128xf32, #tpu.memory_space<vmem_shared>>) dst(%dma_wait3A_43 : memref<632x128xf32, #tpu.memory_space<hbm>>)
      tpu.yield
    }) : () -> ()
    return
  }
}

module attributes {stable_mosaic.version = 14 : i64} {
  func.func @_final_body(%arg0: i32, %arg1: memref<1000x128xf32, #tpu.memory_space<vmem>>, %arg2: memref<1000x128xf32, #tpu.memory_space<vmem>>, %arg3: memref<2x1000x128xf32, #tpu.memory_space<vmem>>, %arg4: memref<2x1000x128xf32, #tpu.memory_space<vmem>>, %arg5: memref<400x128xf32, #tpu.memory_space<vmem>>, %arg6: memref<128x128xf32, #tpu.memory_space<vmem>>, %arg7: memref<1000x128xf32, #tpu.memory_space<vmem>>) attributes {dimension_semantics = [#tpu.dimension_semantics<arbitrary>], iteration_bounds = array<i64: 10>, scalar_prefetch = 0 : i64, scratch_operands = 0 : i64, tpu.core_type = #tpu.core_type<tc>, window_params = [{transform_indices = @transform_0, window_bounds = array<i64: 1000, 128>}, {transform_indices = @transform_1, window_bounds = array<i64: 1000, 128>}, {transform_indices = @transform_2, window_bounds = array<i64: 2, 1000, 128>}, {transform_indices = @transform_3, window_bounds = array<i64: 2, 1000, 128>}, {pipeline_mode = #tpu.pipeline_mode<synchronous>, transform_indices = @transform_4, window_bounds = array<i64: 400, 128>}, {pipeline_mode = #tpu.pipeline_mode<synchronous>, transform_indices = @transform_5, window_bounds = array<i64: 128, 128>}, {transform_indices = @transform_6, window_bounds = array<i64: 1000, 128>}]} {
    %get3A = arith.constant 0 : index
    %get3A_0 = arith.constant 0 : index
    %get3A_1 = vector.load %arg1[%get3A, %get3A_0] : memref<1000x128xf32, #tpu.memory_space<vmem>>, vector<1000x128xf32>
    %get3A_2 = arith.constant 0 : index
    %get3A_3 = arith.constant 0 : index
    %get3A_4 = arith.constant 0 : index
    %get3A_5 = vector.load %arg4[%get3A_2, %get3A_3, %get3A_4] : memref<2x1000x128xf32, #tpu.memory_space<vmem>>, vector<1x1000x128xf32>
    %get3A_6 = vector.shape_cast %get3A_5 : vector<1x1000x128xf32> to vector<1000x128xf32>
    %get3A_7 = arith.constant 1 : index
    %get3A_8 = arith.constant 0 : index
    %get3A_9 = arith.constant 0 : index
    %get3A_10 = vector.load %arg4[%get3A_7, %get3A_8, %get3A_9] : memref<2x1000x128xf32, #tpu.memory_space<vmem>>, vector<1x1000x128xf32>
    %get3A_11 = vector.shape_cast %get3A_10 : vector<1x1000x128xf32> to vector<1000x128xf32>
    %add3A = arith.addf %get3A_6, %get3A_11 : vector<1000x128xf32>
    %get3A_12 = arith.constant 0 : index
    %get3A_13 = arith.constant 0 : index
    %get3A_14 = arith.constant 0 : index
    %get3A_15 = vector.load %arg3[%get3A_12, %get3A_13, %get3A_14] : memref<2x1000x128xf32, #tpu.memory_space<vmem>>, vector<1x1000x128xf32>
    %get3A_16 = vector.shape_cast %get3A_15 : vector<1x1000x128xf32> to vector<1000x128xf32>
    %get3A_17 = arith.constant 1 : index
    %get3A_18 = arith.constant 0 : index
    %get3A_19 = arith.constant 0 : index
    %get3A_20 = vector.load %arg3[%get3A_17, %get3A_18, %get3A_19] : memref<2x1000x128xf32, #tpu.memory_space<vmem>>, vector<1x1000x128xf32>
    %get3A_21 = vector.shape_cast %get3A_20 : vector<1x1000x128xf32> to vector<1000x128xf32>
    %add3A_22 = arith.addf %get3A_16, %get3A_21 : vector<1000x128xf32>
    %slice3A = vector.extract_strided_slice %add3A {offsets = [0, 0], sizes = [1000, 16], strides = [1, 1]} : vector<1000x128xf32> to vector<1000x16xf32>
    %slice3A_23 = vector.extract_strided_slice %add3A {offsets = [0, 16], sizes = [1000, 1], strides = [1, 1]} : vector<1000x128xf32> to vector<1000x1xf32>
    %get3A_24 = arith.constant 0 : index
    %get3A_25 = arith.constant 0 : index
    %get3A_26 = vector.load %arg5[%get3A_24, %get3A_25] : memref<400x128xf32, #tpu.memory_space<vmem>>, vector<128x128xf32>
    %dot_general3A = arith.constant dense<0.000000e+00> : vector<1000x128xf32>
    %dot_general3A_27 = tpu.matmul %get3A_1, %get3A_26, %dot_general3A {dimension_numbers = #tpu.dot_dimension_numbers<[1], [0], [0], [1], [0, 0, 1, 1], [], []>, precision = #tpu.contract_precision<fp32>, transpose_lhs_hint = false} : vector<1000x128xf32>, vector<128x128xf32>, vector<1000x128xf32> -> vector<1000x128xf32>
    %mul3A = vector.broadcast %slice3A_23 : vector<1000x1xf32> to vector<1000x128xf32>
    %mul3A_28 = arith.mulf %mul3A, %get3A_1 : vector<1000x128xf32>
    %get3A_29 = arith.constant 128 : index
    %get3A_30 = arith.constant 0 : index
    %get3A_31 = vector.load %arg5[%get3A_29, %get3A_30] : memref<400x128xf32, #tpu.memory_space<vmem>>, vector<128x128xf32>
    %dot_general3A_32 = arith.constant dense<0.000000e+00> : vector<1000x128xf32>
    %dot_general3A_33 = tpu.matmul %mul3A_28, %get3A_31, %dot_general3A_32 {dimension_numbers = #tpu.dot_dimension_numbers<[1], [0], [0], [1], [0, 0, 1, 1], [], []>, precision = #tpu.contract_precision<fp32>, transpose_lhs_hint = false} : vector<1000x128xf32>, vector<128x128xf32>, vector<1000x128xf32> -> vector<1000x128xf32>
    %add3A_34 = arith.addf %dot_general3A_27, %dot_general3A_33 : vector<1000x128xf32>
    %get3A_35 = arith.constant 256 : index
    %get3A_36 = arith.constant 0 : index
    %get3A_37 = vector.load %arg5[%get3A_35, %get3A_36] : memref<400x128xf32, #tpu.memory_space<vmem>>, vector<16x128xf32>
    %dot_general3A_38 = arith.constant dense<0.000000e+00> : vector<1000x128xf32>
    %dot_general3A_39 = tpu.matmul %slice3A, %get3A_37, %dot_general3A_38 {dimension_numbers = #tpu.dot_dimension_numbers<[1], [0], [0], [1], [0, 0, 1, 1], [], []>, precision = #tpu.contract_precision<fp32>, transpose_lhs_hint = false} : vector<1000x16xf32>, vector<16x128xf32>, vector<1000x128xf32> -> vector<1000x128xf32>
    %add3A_40 = arith.addf %add3A_34, %dot_general3A_39 : vector<1000x128xf32>
    %get3A_41 = arith.constant 272 : index
    %get3A_42 = arith.constant 0 : index
    %get3A_43 = vector.load %arg5[%get3A_41, %get3A_42] : memref<400x128xf32, #tpu.memory_space<vmem>>, vector<128x128xf32>
    %dot_general3A_44 = arith.constant dense<0.000000e+00> : vector<1000x128xf32>
    %dot_general3A_45 = tpu.matmul %add3A_22, %get3A_43, %dot_general3A_44 {dimension_numbers = #tpu.dot_dimension_numbers<[1], [0], [0], [1], [0, 0, 1, 1], [], []>, precision = #tpu.contract_precision<fp32>, transpose_lhs_hint = false} : vector<1000x128xf32>, vector<128x128xf32>, vector<1000x128xf32> -> vector<1000x128xf32>
    %add3A_46 = arith.addf %add3A_40, %dot_general3A_45 : vector<1000x128xf32>
    %max3A = arith.constant 0.000000e+00 : f32
    %max3A_47 = vector.broadcast %max3A : f32 to vector<1000x128xf32>
    %max3A_48 = arith.maximumf %add3A_46, %max3A_47 : vector<1000x128xf32>
    %get3A_49 = arith.constant 0 : index
    %get3A_50 = arith.constant 0 : index
    %get3A_51 = vector.load %arg6[%get3A_49, %get3A_50] : memref<128x128xf32, #tpu.memory_space<vmem>>, vector<128x128xf32>
    %dot_general3A_52 = arith.constant dense<0.000000e+00> : vector<1000x128xf32>
    %dot_general3A_53 = tpu.matmul %max3A_48, %get3A_51, %dot_general3A_52 {dimension_numbers = #tpu.dot_dimension_numbers<[1], [0], [0], [1], [0, 0, 1, 1], [], []>, precision = #tpu.contract_precision<fp32>, transpose_lhs_hint = false} : vector<1000x128xf32>, vector<128x128xf32>, vector<1000x128xf32> -> vector<1000x128xf32>
    %gt3A = arith.constant 0.000000e+00 : f32
    %gt3A_54 = vector.broadcast %gt3A : f32 to vector<1000x1xf32>
    %gt3A_55 = arith.cmpf ogt, %slice3A_23, %gt3A_54 : vector<1000x1xf32>
    %get3A_56 = arith.constant 0 : index
    %get3A_57 = arith.constant 0 : index
    %get3A_58 = vector.load %arg2[%get3A_56, %get3A_57] : memref<1000x128xf32, #tpu.memory_space<vmem>>, vector<1000x128xf32>
    %broadcast_in_dim3A = vector.shape_cast %gt3A_55 : vector<1000x1xi1> to vector<1000x1xi1>
    %broadcast_in_dim3A_59 = vector.broadcast %broadcast_in_dim3A : vector<1000x1xi1> to vector<1000x128xi1>
    %select_n3A = arith.select %broadcast_in_dim3A_59, %dot_general3A_53, %get3A_58 : vector<1000x128xi1>, vector<1000x128xf32>
    %swap3A = arith.constant 0 : index
    %swap3A_60 = arith.constant 0 : index
    %swap3A_61 = vector.load %arg7[%swap3A, %swap3A_60] : memref<1000x128xf32, #tpu.memory_space<vmem>>, vector<1000x128xf32>
    tpu.vector_store %arg7[%swap3A, %swap3A_60], %select_n3A {strides = array<i32>} : memref<1000x128xf32, #tpu.memory_space<vmem>>, vector<1000x128xf32>,
    return
  }
  func.func @transform_0(%arg0: i32) -> (i32, i32) {
    %c0_i32 = arith.constant 0 : i32
    %c0_i32_0 = arith.constant 0 : i32
    return %arg0, %c0_i32 : i32, i32
  }
  func.func @transform_1(%arg0: i32) -> (i32, i32) {
    %c0_i32 = arith.constant 0 : i32
    %c0_i32_0 = arith.constant 0 : i32
    return %arg0, %c0_i32 : i32, i32
  }
  func.func @transform_2(%arg0: i32) -> (i32, i32, i32) {
    %c0_i32 = arith.constant 0 : i32
    %c0_i32_0 = arith.constant 0 : i32
    %c0_i32_1 = arith.constant 0 : i32
    return %c0_i32, %arg0, %c0_i32_0 : i32, i32, i32
  }
  func.func @transform_3(%arg0: i32) -> (i32, i32, i32) {
    %c0_i32 = arith.constant 0 : i32
    %c0_i32_0 = arith.constant 0 : i32
    %c0_i32_1 = arith.constant 0 : i32
    return %c0_i32, %arg0, %c0_i32_0 : i32, i32, i32
  }
  func.func @transform_4(%arg0: i32) -> (i32, i32) {
    %c0_i32 = arith.constant 0 : i32
    %c0_i32_0 = arith.constant 0 : i32
    %c0_i32_1 = arith.constant 0 : i32
    return %c0_i32, %c0_i32_0 : i32, i32
  }
  func.func @transform_5(%arg0: i32) -> (i32, i32) {
    %c0_i32 = arith.constant 0 : i32
    %c0_i32_0 = arith.constant 0 : i32
    %c0_i32_1 = arith.constant 0 : i32
    return %c0_i32, %c0_i32_0 : i32, i32
  }
  func.func @transform_6(%arg0: i32) -> (i32, i32) {
    %c0_i32 = arith.constant 0 : i32
    %c0_i32_0 = arith.constant 0 : i32
    return %arg0, %c0_i32 : i32, i32
  }
}

</mosaic_0001>

<sc_bundles>
// kernel: kernel.5.cloned.1.call-start
scs
__scs_entry_jumppad:
0x0: {  	(pc) =	sbr.rel $0x88, $3  }
0x1: {  	(tag) =	ssettag $0x0;
	lr =	simm.s32 $0x1  }
0x2: {  	[smem:$0x3F9B] =	sst lr;
	_ =	strace $0xD0000000  }
0x3: {  	_ = 	snop  }
0x4: {  	_ = 	snop  }
0x5: {  	_ = 	snop  }
0x6: {  	_ = 	snop  }
0x7: {  	_ = 	snop  }
__scs_overlays_trampoline_lowered:
0x8: {  	[smem:$0x3FAA] =	sst s0  }
0x9: {  	[smem:$0x3FAB] =	sst s1  }
0xa: {  	[smem:$0x3FAC] =	sst s2  }
0xb: {  	[smem:$0x3FAD] =	sst s3  }
0xc: {  	[smem:$0x3FAE] =	sst s4  }
0xd: {  	[smem:$0x3FAF] =	sst s5  }
0xe: {  	[smem:$0x3FB0] =	sst s6  }
0xf: {  	[smem:$0x3FB1] =	sst s7  }
0x10: {  	[smem:$0x3FB2] =	sst s8  }
0x11: {  	[smem:$0x3FB3] =	sst s9;
	s0 =	simm.s32 @!p0 $0x0  }
0x12: {  	s1 =	sld [smem:$0x3F99];
	s0 =	simm.s32 @p0 $0x1  }
0x13: {  	[smem:$0x3FB4] =	sst s0;
	s0 =	simm.s32 @!p1 $0x0  }
0x14: {  	s2 =	sld [smem:$0x3F98];
	s0 =	simm.s32 @p1 $0x1  }
0x15: {  	[smem:$0x3FB5] =	sst s0;
	s0 =	simm.s32 @!p2 $0x0  }
0x16: {  	s3 =	sld [smem:$0x3FDB];
	s0 =	simm.s32 @p2 $0x1  }
0x17: {  	s4 =	simm.s32 $0x1BF5;
	[smem:$0x3FB7] =	sst s0  }
0x18: {  	s0 =	sld [smem:$0x3F9A];
	_ =	swait.ge [sflag:s4], $0x0  }
0x19: {  	s7 =	sld [smem:$0x3F9B]  }
0x1a: {  	s8 =	sadd.s32 $0xFFFFE003, lr  }
0x1b: {  	s9 =	sadd.s32 $0xFFFFFEF7, lr;
	s5 =	simm.s32 $0xFFFFFFFF;
	p2 =	slt.u32 s8, $0xFFFFF086  }
0x1c: {  	p1 =	slt.u32 s9, $0xF7A;
	s5 =	simm.s32 @!p2 $0x0  }
0x1d: {  	s5 =	simm.s32 @p1 $0x1;
	p0 =	seq.s32 s7, s2  }
0x1e: {  	s7 =	smul.u32 @!p0 $0xF7A, s2;
	p2 =	seq.s32 @!p0 s5, $0x0  }
0x1f: {  	s9 =	smul.u32 $0xF7A, s1;
	s8 =	simm.s32 @!p0 $0x1BF5;
	p2 =	por !p2, p0  }
0x20: {  	[sflag:s8] =	ssyncset.s32 @!p0 $0xFFFFF086;
	s6 =	sadd.s32 @!p0 s3, s7;
	s7 =	simm.s32 @!p0 $0x108  }
0x21: {  	s3 =	sadd.s32 s3, s9;
	s6 =	sadd.s32 @!p0 $0x88, s6;
	s7 =	simm.s32 @p2 $0x1082  }
0x22: {  	[simem:s7], [sflag:s8] =	dma.local @!p0 [hbm:s6], $0xF7A  }
0x23: {  	s9 =	sor.u32 $0xD0000000, s2;
	s6 =	simm.s32 $0x108;
	_ =	swait.ge @!p0 [sflag:s8], $0x0  }
0x24: {  	s3 =	sadd.s32 $0x88, s3;
	s6 =	simm.s32 @!p1 $0x1082;
	[sflag:s4] =	ssyncset.s32 $0xFFFFF086  }
0x25: {  	[simem:s6], [sflag:s4] =	dma.local [hbm:s3], $0xF7A  }
0x26: {  	[smem:$0x3F9B] =	sst s1;
	(tag) =	ssettag s2;
	_ =	strace s9  }
0x27: {  	s1 =	sld [smem:$0x3FAB]  }
0x28: {  	s2 =	sld [smem:$0x3FAC]  }
0x29: {  	s4 =	sld [smem:$0x3FAE]  }
0x2a: {  	p0 =	seq.s32 s5, $0x0;
	s5 =	sld [smem:$0x3FAF]  }
0x2b: {  	s6 =	sld [smem:$0x3FB0]  }
0x2c: {  	s7 =	sld [smem:$0x3FB1]  }
0x2d: {  	s3 =	simm.s32 $0x108;
	s8 =	sld [smem:$0x3FB2]  }
0x2e: {  	s3 =	simm.s32 @!p0 $0x1082;
	s9 =	sld [smem:$0x3FB3]  }
0x2f: {  	lr =	sadd.s32 s0, s3;
	s0 =	sld [smem:$0x3FAA]  }
0x30: {  	s3 =	sld [smem:$0x3FAD]  }
0x31: {  	[smem:$0x3FB6] =	sst s10  }
0x32: {  	s10 =	sld [smem:$0x3FB4];
	_ =	sdelay $0x3  }
0x33: {  	p0 =	seq.s32 s10, $0x1;
	s10 =	sld [smem:$0x3FB6];
	_ =	sdelay $0x3  }
0x34: {  	[smem:$0x3FB6] =	sst s10  }
0x35: {  	s10 =	sld [smem:$0x3FB5];
	_ =	sdelay $0x3  }
0x36: {  	p1 =	seq.s32 s10, $0x1;
	s10 =	sld [smem:$0x3FB6];
	_ =	sdelay $0x3  }
0x37: {  	[smem:$0x3FB6] =	sst s10  }
0x38: {  	s10 =	sld [smem:$0x3FB7]  }
0x39: {  	_ = 	snop;
	(pc) =	sbr.ind lr, $3  }
0x3a: {  	_ = 	snop  }
0x3b: {  	_ = 	snop  }
0x3c: {  	p2 =	seq.s32 s10, $0x1;
	s10 =	sld [smem:$0x3FB6]  }
0x3d: {  	_ =	shalt  }
0x3e: {  	_ =	shalt  }
0x3f: {  	_ =	shalt  }
0x40: {  	_ =	shalt  }
0x41: {  	_ =	shalt  }
0x42: {  	_ =	shalt  }
0x43: {  	_ =	shalt  }
0x44: {  	_ =	shalt  }
0x45: {  	_ =	shalt  }
0x46: {  	_ =	shalt  }
0x47: {  	_ =	shalt  }
0x48: {  	_ =	shalt  }
0x49: {  	_ =	shalt  }
0x4a: {  	_ =	shalt  }
0x4b: {  	_ =	shalt  }
0x4c: {  	_ =	shalt  }
0x4d: {  	_ =	shalt  }
0x4e: {  	_ =	shalt  }
0x4f: {  	_ =	shalt  }
0x50: {  	_ =	shalt  }
0x51: {  	_ =	shalt  }
0x52: {  	_ =	shalt  }
0x53: {  	_ =	shalt  }
0x54: {  	_ =	shalt  }
0x55: {  	_ =	shalt  }
0x56: {  	_ =	shalt  }
0x57: {  	_ =	shalt  }
0x58: {  	_ =	shalt  }
0x59: {  	_ =	shalt  }
0x5a: {  	_ =	shalt  }
0x5b: {  	_ =	shalt  }
0x5c: {  	_ =	shalt  }
0x5d: {  	_ =	shalt  }
0x5e: {  	_ =	shalt  }
0x5f: {  	_ =	shalt  }
0x60: {  	_ =	shalt  }
0x61: {  	_ =	shalt  }
0x62: {  	_ =	shalt  }
0x63: {  	_ =	shalt  }
0x64: {  	_ =	shalt  }
0x65: {  	_ =	shalt  }
0x66: {  	_ =	shalt  }
0x67: {  	_ =	shalt  }
0x68: {  	_ =	shalt  }
0x69: {  	_ =	shalt  }
0x6a: {  	_ =	shalt  }
0x6b: {  	_ =	shalt  }
0x6c: {  	_ =	shalt  }
0x6d: {  	_ =	shalt  }
0x6e: {  	_ =	shalt  }
0x6f: {  	_ =	shalt  }
0x70: {  	_ =	shalt  }
0x71: {  	_ =	shalt  }
0x72: {  	_ =	shalt  }
0x73: {  	_ =	shalt  }
0x74: {  	_ =	shalt  }
0x75: {  	_ =	shalt  }
0x76: {  	_ =	shalt  }
0x77: {  	_ =	shalt  }
0x78: {  	_ =	shalt  }
0x79: {  	_ =	shalt  }
0x7a: {  	_ =	shalt  }
0x7b: {  	_ =	shalt  }
0x7c: {  	_ =	shalt  }
0x7d: {  	_ =	shalt  }
0x7e: {  	_ =	shalt  }
0x7f: {  	_ =	shalt  }
0x80: {  	_ =	shalt  }
0x81: {  	_ =	shalt  }
0x82: {  	_ =	shalt  }
0x83: {  	_ =	shalt  }
0x84: {  	_ =	shalt  }
0x85: {  	_ =	shalt  }
0x86: {  	_ =	shalt  }
0x87: {  	_ =	shalt  }
.Lfunc_end0:
.L_simem_size_0:
called_computation_lowered:
.L_overlay_start_0:
0x88: {  	s2 =	sld [smem:$0x3FD9]  }
0x89: {  	s3 =	sld [smem:$0x3FFE];
	_ =	sdelay $0x1  }
0x8a: {  	s1 =	srdreg.scid  }
0x8b: {  	s0 =	sand.u32 $0x1, s1  }
0x8c: {  	s17 =	sshll.u32 s0, $0xA;
	s2 =	sadd.s32 s3, s2  }
0x8d: {  	s2 =	sadd.s32 s2, s17  }
0x8e: {  	[smem:$0x3FC2] =	sst s2  }
0x8f: {  	_ = 	snop  }
0x90: {  	s2 =	sld [smem:$0x3FC8]  }
0x91: {  	s18 =	sld [smem:$0x3FD0];
	(tm) =	ssettm $0x1  }
0x92: {  	s4 =	sld [smem:$0x3FFB];
	_ =	sdelay $0x3  }
0x93: {  	_ =	strace s4  }
0x94: {  	s4 =	sld [smem:$0x3FFC];
	_ =	sdelay $0x3  }
0x95: {  	_ =	strace s4  }
0x96: {  	s4 =	sld [smem:$0x3FFD];
	_ =	sdelay $0x3  }
0x97: {  	_ =	strace s4  }
0x98: {  	_ =	strace $0x8FFFFFFF  }
0x99: {  	s19 =	sld [smem:$0x3FDB];
	_ =	sdelay $0x1  }
0x9a: {  	s5 =	simm.s32 $_scs_section_size  }
0x9b: {  	s6 =	simm.s32 $_size__tile_overlayer_lowered;
	s7 =	simm.s32 $_tile_overlayer_lowered  }
0x9c: {  	s22 =	simm.s32 $0x1BFF;
	s21 =	sshll.u32 s7, $0x1;
	s4 =	sadd.s32 s5, s19  }
0x9d: {  	s8 =	simm.s32 $0x0;
	s20 =	sshll.u32 s6, $0x1;
	s6 =	sadd.s32 s21, s4  }
0x9e: {  	[timem:s8], [sflag:s22] =	dma.local [hbm:s6], s20  }
0x9f: {  	_ =	swait.ge [sflag:s22], s20  }
0xa0: {  	s5 =	ssub.s32 $0x0, s20;
	[sflag:s22] =	ssyncset.done $0x0  }
0xa1: {  	[sflag:s22] =	ssyncadd.s32 s5;
	_ =	sdelay $0x1  }
0xa2: {  	s23 =	simm.s32 $0x1B8B  }
0xa3: {  	_ =	swait.ge [sflag:s23], $0x1  }
0xa4: {  	[sflag:s23] =	ssyncset.done $0x0  }
0xa5: {  	s25 =	simm.s32 $0x1B8E;
	s24 =	sld [smem:$0x3FFE];
	[sflag:s23] =	ssyncadd.s32 $0xFFFFFFFF  }
0xa6: {  	s26 =	simm.s32 $execute0_lowered;
	[smem:$0x3FD2] =	sst s25  }
0xa7: {  	s6 =	sshll.u32 s26, $0x1;
	_ =	strace $0x80000046;
	[dreg:$0x1] =	wrdreg $0xFFFFFFFF  }
0xa8: {  	s28 =	simm.s32 $_size_execute0_lowered;
	s4 =	sadd.s32 s4, s6;
	[dreg:$0x0] =	wrdreg $0x0  }
0xa9: {  	s6 =	sshll.u32 s28, $0x1;
	[dreg:$0x2] =	wrdreg s4  }
0xaa: {  	[dreg:$0x3] =	wrdreg s6  }
0xab: {  	[dreg:$0x4] =	wrdreg $0xC0  }
0xac: {  	_ =	task [dreg:s8], $0x5FFFF  }
0xad: {  	[dreg:$0x1] =	wrdreg $0xFFFFFFFF  }
0xae: {  	[dreg:$0x0] =	wrdreg $0x60  }
0xaf: {  	[dreg:$0x2] =	wrdreg s18  }
0xb0: {  	[dreg:$0x3] =	wrdreg s24  }
0xb1: {  	[dreg:$0x4] =	wrdreg s2  }
0xb2: {  	[dreg:$0x5] =	wrdreg $0xB0000  }
0xb3: {  	[dreg:$0x6] =	wrdreg $0x9  }
0xb4: {  	_ =	task.clear_ibuf [dreg:s8], $0x7FFFF;
	_ =	strace $0x90000046  }
0xb5: {  	s29 =	simm.s32 $0x9;
	_ =	strace $0x80000048  }
0xb6: {  	_ =	swait.ge [sflag:s29], $0x1  }
0xb7: {  	[sflag:s29] =	ssyncadd.s32 $0xFFFFFFFF  }
0xb8: {  	_ =	strace $0x90000048  }
0xb9: {  	_ =	sfence  }
0xba: {  	s30 =	sld [smem:$0x0];
	_ =	sdelay $0x2  }
0xbb: {  	s31 =	sshll.u32 s1, $0xD;
	s1 =	sshrl.u32 s1, $0x2  }
0xbc: {  	s3 =	sand.u32 $0x4000, s31;
	s1 =	sadd.s32 s1, s30  }
0xbd: {  	s0 =	sor.u32 s3, s0;
	s1 =	sshll.u32 s1, $0x11  }
0xbe: {  	s0 =	sor.u32 s1, s0  }
0xbf: {  	s0 =	sadd.s32 $0x8F2B, s0  }
0xc0: {  	[sflag:s0] =	ssyncadd.remote.s32 $0x1  }
0xc1: {  	_ =	sfence.sel $0xFFFF  }
0xc2: {  	[dreg:$0x0] =	wrdreg $0xFFFFFFFF;
	(pc) =	sbr.abs _section_cstart, $3  }
0xc3: {  	[dreg:$0x1] =	wrdreg $0xFFFFFFFF  }
0xc4: {  	_ =	task.clear_ibuf [dreg:s8], $0x2FFFF;
	_ =	strace $0x9FFFFFFF  }
0xc5: {  	(tm) =	ssettm $0x7FFFFFFF  }
tec
execute0_lowered:
.L_overlay_start_1:
0x0: {  	(tag) =	ssettag $0x1  }
0x1: {  	s1 =	rddreg [dreg:$0x0]  }
0x2: {  	s9 =	rddreg [dreg:$0x1]  }
0x3: {  	s2 =	rddreg [dreg:$0x2]  }
0x4: {  	s3 =	rddreg [dreg:$0x3];
	s4 =	srdreg.scid  }
0x5: {  	s0 =	rddreg [dreg:$0x4];
	s5 =	simm.s32 $0x0;
	s17 =	simm.s32 $0x3000  }
0x6: {  	s18 =	simm.s32 $0x7000;
	s19 =	simm.s32 $0x1;
	s20 =	simm.s32 $0x2  }
0x7: {  	s21 =	simm.s32 $0x0;
	s7 =	sand.u32 $0x1, s4;
	s4 =	stileid.u32  }
0x8: {  	[smem:$0x7FF] =	sst s5;
	s6 =	sadd.s32 $0x1E00, s9;
	s8 =	smul.u32 $0x13C000, s7  }
0x9: {  	s10 =	smul.u32 $0x13C00, s4;
	_ =	strace $0x80000047;
	s26 =	sshll.u32 s4, $0x1  }
0xa: {  	s11 =	ssub.s32 $0x2, s7;
	s12 =	smul.u32 $0x4F000, s4;
	s30 =	sshll.u32 s4, $0x6  }
0xb: {  	s13 =	sor.u32 s7, s26;
	s14 =	sshrl.u32 s11, $0x1;
	s8 =	sadd.s32 s8, s10  }
0xc: {  	s7 =	smul.u32 $0x50, s13;
	s14 =	ssub.s32 s11, s14;
	s29 =	sshra.s32 s12, $0x2  }
.Ltmp0:
0xd: {  	p0 =	sne.s32 s13, $0x1F;
	s28 =	sshrl.u32 s8, $0x3;
	(pc) =	sbr.rel .LBB2_1-.Ltmp0, $4  }
0xe: {  	s8 =	sadd.s32 $0xBE00, s9;
	s16 =	sadd.s32 s29, s3;
	s12 =	smax.u32 s14, $0x1  }
0xf: {  	s14 =	simm.s32 $0x3;
	s15 =	sadd.s32 s28, s9;
	s31 =	ssub.s32 $0x9C4, s7  }
0x10: {  	s9 =	sadd.s32 $0x1C03, s30;
	s13 =	sshrl.u32 s16, $0x3;
	s16 =	simm.s32 $0x80  }
0x11: {  	s10 =	smin.u32 s31, $0x50;
	s11 =	sadd.s32 $0xE600, s15;
	s15 =	simm.s32 $0x1800  }
.LBB2_7:
0x12: {  	s21 =	sadd.s32 $0x1, s21  }
0x13: {  	p1 =	sne.s32 s21, s12  }
.Ltmp1:
0x14: {  	[bflag:$0x0] =	sbarrier.arrive $0xFFFF;
	(pc) =	sbr.rel @!p1 .LBB2_8-.Ltmp1, $4  }
0x15: {  	[hbm:s11], [sflag:s9] =	dma.local [spmem:s13], $0x2780  }
0x16: {  	_ =	swait.ge [sflag:s14], $0x2780  }
0x17: {  	[sflag:s14] =	ssyncset.done $0x0  }
0x18: {  	[sflag:s14] =	ssyncadd.s32 $0xFFFFD880  }
.LBB2_1:
0x19: {  	[spmem:s13], [sflag:s9] =	dma.local [hbm:s8], $0x2780  }
.Ltmp2:
0x1a: {  	_ =	swait.ge [sflag:s14], $0x2780;
	(pc) =	sbr.rel .LBB2_2-.Ltmp2, $4  }
0x1b: {  	[sflag:s14] =	ssyncset.done $0x0  }
0x1c: {  	[sflag:s14] =	ssyncadd.s32 $0xFFFFD880  }
0x1d: {  	[bflag:$0x0] =	sbarrier.arrive $0xFFFF  }
0x1e: {  	p2 =	por p0, p0;
	s22 =	simm.s32 $0x0  }
.LBB2_5:
0x1f: {  	[sflag:s14] =	ssyncset.done $0x0  }
0x20: {  	s22 =	sshra.s32 s26, $0x2;
	[sflag:s14] =	ssyncadd.s32 $0xFFFFC000  }
0x21: {  	[tilespmem:s18], [sflag:$0x2] =	stream.indirect.gather [hbm4b:s2+s16], $0x80, s22, s16, $0xb8;
	[tilespmem:$0x1EC00] =	vst v63  }
.LBB2_6:
0x22: {  	_ =	swait.ge [sflag:s19], $0x4000  }
.Ltmp3:
0x23: {  	[sflag:s19] =	ssyncset.done $0x0;
	(pc) =	sbr.rel @!p1 .LBB2_7-.Ltmp3, $4  }
0x24: {  	[sflag:s19] =	ssyncadd.s32 $0xFFFFC000  }
0x25: {  	_ =	swait.ge [sflag:s20], $0x4000  }
0x26: {  	[sflag:s20] =	ssyncset.done $0x0  }
0x27: {  	s22 =	simm.s32 $0x30;
	p2 =	por $0x0, $0x0;
	[sflag:s20] =	ssyncadd.s32 $0xFFFFC000  }
.LBB2_2:
0x28: {  	s23 =	sadd.s32 s7, s22  }
0x29: {  	s23 =	sshll.u32 s23, $0x4  }
0x2a: {  	s24 =	sadd.s32 s1, s23  }
0x2b: {  	[tilespmem:s5], [sflag:$0x3] =	stream.linear.gather [hbm4b:s24+s5], $0x1800, $0x38;
	[tilespmem:$0x1EC00] =	vst v63  }
0x2c: {  	s24 =	ssub.s32 s10, s22  }
0x2d: {  	_ =	swait.ge [sflag:s14], $0x1800;
	p1 =	slt.s32 s24, $0x30  }
0x2e: {  	[sflag:s14] =	ssyncset.done $0x0;
	s24 =	simm.s32 @!p1 $0x30  }
0x2f: {  	s31 =	sadd.s32 s6, s23;
	[sflag:s14] =	ssyncadd.s32 $0xFFFFE800;
	s22 =	sadd.s32 $0xFFFFFFFF, s24  }
0x30: {  	[tilespmem:s15], [sflag:$0x3] =	stream.linear.gather [hbm4b:s31+s5], $0x1800, $0x38;
	[tilespmem:$0x1EC00] =	vst v63  }
0x31: {  	s24 =	sshra.s32 s24, $0x1;
	p1 =	slt.s32 s22, $0x1  }
0x32: {  	s23 =	smov.u32 s22;
	p3 =	slt.s32 s24, $0x1;
	_ =	swait.ge [sflag:s14], $0x1800  }
.Ltmp4:
0x33: {  	s23 =	simm.s32 @!p1 $0x1;
	[sflag:s14] =	ssyncset.done $0x0;
	(pc) =	sbr.rel @p3 .LBB2_6-.Ltmp4, $4  }
0x34: {  	s23 =	sshll.u32 s23, $0x9;
	[sflag:s14] =	ssyncadd.s32 $0xFFFFE800  }
0x35: {  	[tilespmem:s17], [sflag:$0x1] =	stream.indirect.gather [hbm4b:s2+s16], $0x80, s5, s16, $0xb8;
	[tilespmem:$0x1EC00] =	vst v63  }
0x36: {  	p1 =	por p2, p2;
	s23 =	sshra.s32 s23, $0x2  }
0x37: {  	[tilespmem:s18], [sflag:$0x2] =	stream.indirect.gather [hbm4b:s2+s16], $0x80, s23, s16, $0xb8;
	[tilespmem:$0x1EC00] =	vst v63  }
0x38: {  	_ =	swait.ge [sflag:s19], $0x4000  }
0x39: {  	s23 =	simm.s32 $0x2;
	s25 =	simm.s32 $0x1800;
	[sflag:s19] =	ssyncset.done $0x0  }
0x3a: {  	p2 =	sgt.s32 s22, $0x2;
	s26 =	smov.u32 s22;
	[sflag:s19] =	ssyncadd.s32 $0xFFFFC000  }
0x3b: {  	[spmem:s3] =	stream.indirect.scatter.add.f32 [tilespmem:s17], [sflag:$0x3], $0x80, s25, s16, $0xb8;
	[tilespmem:$0x1EC00] =	vst v63  }
0x3c: {  	s26 =	smov.u32 @p2 s23;
	_ =	swait.ge [sflag:s14], $0x4000  }
0x3d: {  	p3 =	sne.s32 s24, $0x1;
	s23 =	sshll.u32 s26, $0x9;
	[sflag:s14] =	ssyncset.done $0x0  }
0x3e: {  	s24 =	sadd.s32 $0xFFFFFFFF, s24;
	s23 =	sshra.s32 s23, $0x2;
	[sflag:s14] =	ssyncadd.s32 $0xFFFFC000  }
0x3f: {  	[tilespmem:s17], [sflag:$0x1] =	stream.indirect.gather [hbm4b:s2+s16], $0x80, s23, s16, $0xb8;
	[tilespmem:$0x1EC00] =	vst v63  }
.Ltmp5:
0x40: {  	p2 =	sgt.s32 s22, $0x3;
	_ =	swait.ge [sflag:s20], $0x4000;
	(pc) =	sbr.rel @!p3 .LBB2_5-.Ltmp5, $4  }
0x41: {  	s26 =	smov.u32 s22;
	s25 =	simm.s32 $0x3;
	[sflag:s20] =	ssyncset.done $0x0  }
0x42: {  	s26 =	smov.u32 @p2 s25;
	s23 =	simm.s32 $0x1880;
	[sflag:s20] =	ssyncadd.s32 $0xFFFFC000  }
0x43: {  	[spmem:s3] =	stream.indirect.scatter.add.f32 [tilespmem:s18], [sflag:$0x3], $0x80, s23, s16, $0xb8;
	[tilespmem:$0x1EC00] =	vst v63  }
0x44: {  	s25 =	simm.s32 $0x4;
	s26 =	sshll.u32 s26, $0x9;
	_ =	swait.ge [sflag:s14], $0x4000  }
.LBB2_4:
0x45: {  	[sflag:s14] =	ssyncset.done $0x0  }
0x46: {  	s26 =	sshra.s32 s26, $0x2;
	s23 =	sadd.s32 $0x100, s23;
	p2 =	sne.s32 s24, $0x1  }
0x47: {  	s24 =	sadd.s32 $0xFFFFFFFF, s24;
	p3 =	slt.s32 s25, s22;
	[sflag:s14] =	ssyncadd.s32 $0xFFFFC000  }
0x48: {  	[tilespmem:s18], [sflag:$0x2] =	stream.indirect.gather [hbm4b:s2+s16], $0x80, s26, s16, $0xb8;
	[tilespmem:$0x1EC00] =	vst v63  }
0x49: {  	s28 =	smov.u32 s22;
	s26 =	sadd.s32 $0xFFFFFF80, s23;
	_ =	swait.ge [sflag:s19], $0x4000  }
0x4a: {  	s28 =	smov.u32 @p3 s25;
	[sflag:s19] =	ssyncset.done $0x0  }
0x4b: {  	s28 =	sshll.u32 s28, $0x9;
	[sflag:s19] =	ssyncadd.s32 $0xFFFFC000  }
0x4c: {  	[spmem:s3] =	stream.indirect.scatter.add.f32 [tilespmem:s17], [sflag:$0x3], $0x80, s26, s16, $0xb8;
	[tilespmem:$0x1EC00] =	vst v63  }
0x4d: {  	s26 =	sshra.s32 s28, $0x2;
	_ =	swait.ge [sflag:s14], $0x4000  }
0x4e: {  	[sflag:s14] =	ssyncset.done $0x0  }
0x4f: {  	[sflag:s14] =	ssyncadd.s32 $0xFFFFC000  }
0x50: {  	[tilespmem:s17], [sflag:$0x1] =	stream.indirect.gather [hbm4b:s2+s16], $0x80, s26, s16, $0xb8;
	[tilespmem:$0x1EC00] =	vst v63  }
.Ltmp6:
0x51: {  	s26 =	sadd.s32 $0x1, s25;
	_ =	swait.ge [sflag:s20], $0x4000;
	(pc) =	sbr.rel @p2 .LBB2_4-.Ltmp6, $4  }
0x52: {  	s28 =	smov.u32 s22;
	p3 =	slt.s32 s26, s22;
	[sflag:s20] =	ssyncset.done $0x0  }
0x53: {  	s28 =	smov.u32 @p3 s26;
	[sflag:s20] =	ssyncadd.s32 $0xFFFFC000  }
0x54: {  	[spmem:s3] =	stream.indirect.scatter.add.f32 [tilespmem:s18], [sflag:$0x3], $0x80, s23, s16, $0xb8;
	[tilespmem:$0x1EC00] =	vst v63  }
0x55: {  	s25 =	sadd.s32 $0x2, s25;
	s26 =	sshll.u32 s28, $0x9;
	_ =	swait.ge [sflag:s14], $0x4000  }
.Ltmp7:
0x56: {  	_ = 	snop;
	(pc) =	sbr.rel .LBB2_5-.Ltmp7, $1  }
0x57: {  	_ =	sdelay $0x3  }
.LBB2_8:
0x58: {  	_ =	sfence.sel $0x180000  }
0x59: {  	[bflag:$0x0] =	sbarrier.arrive $0xFFFF  }
0x5a: {  	p0 =	sne.s32 s4, $0x0;
	_ =	strace $0x90000047  }
0x5b: {  	s0 =	sadd.s32 @!p0 $0x100000, s0;
	[bflag:$0x2] =	sbarrier.arrive $0xFFFF  }
0x5c: {  	[sflag:s0] =	ssyncadd.tile.s32 @!p0 $0x1;
	_ =	shalt  }
.Lfunc_end2:
_tile_overlayer_lowered:
.L_overlay_start_2:
0x5d: {  	(tag) =	ssettag $0x2  }
0x5e: {  	s0 =	rddreg [dreg:$0x0];
	s2 =	stileid.u32  }
0x5f: {  	s1 =	rddreg [dreg:$0x1];
	p0 =	sne.s32 s2, $0x0  }
0x60: {  	s3 =	rddreg [dreg:$0x2];
	[bflag:$0x3] =	sbarrier.arrive $0xFFFF;
	s2 =	simm.s32 @!p0 $0x1C03  }
0x61: {  	[timem:s3], [sflag:s2] =	dma.local @!p0 [hbm:s0], s1  }
0x62: {  	s0 =	simm.s32 @!p0 $0x3  }
0x63: {  	_ =	swait.ge @!p0 [sflag:s0], s1  }
0x64: {  	s1 =	ssub.s32 @!p0 $0x0, s1;
	[sflag:s0] =	ssyncset.done @!p0 $0x0  }
0x65: {  	[sflag:s0] =	ssyncadd.s32 @!p0 s1  }
0x66: {  	[bflag:$0x3] =	sbarrier.arrive $0xFFFF  }
0x67: {  	_ =	shalt  }

// kernel: kernel.8.cloned.1.call-start
scs
__scs_entry_jumppad:
0x0: {  	(pc) =	sbr.rel $0x88, $3  }
0x1: {  	(tag) =	ssettag $0x0;
	lr =	simm.s32 $0x1  }
0x2: {  	[smem:$0x3F9B] =	sst lr;
	_ =	strace $0xD0000000  }
0x3: {  	_ = 	snop  }
0x4: {  	_ = 	snop  }
0x5: {  	_ = 	snop  }
0x6: {  	_ = 	snop  }
0x7: {  	_ = 	snop  }
__scs_overlays_trampoline_lowered:
0x8: {  	[smem:$0x3FAA] =	sst s0  }
0x9: {  	[smem:$0x3FAB] =	sst s1  }
0xa: {  	[smem:$0x3FAC] =	sst s2  }
0xb: {  	[smem:$0x3FAD] =	sst s3  }
0xc: {  	[smem:$0x3FAE] =	sst s4  }
0xd: {  	[smem:$0x3FAF] =	sst s5  }
0xe: {  	[smem:$0x3FB0] =	sst s6  }
0xf: {  	[smem:$0x3FB1] =	sst s7  }
0x10: {  	[smem:$0x3FB2] =	sst s8  }
0x11: {  	[smem:$0x3FB3] =	sst s9;
	s0 =	simm.s32 @!p0 $0x0  }
0x12: {  	s1 =	sld [smem:$0x3F99];
	s0 =	simm.s32 @p0 $0x1  }
0x13: {  	[smem:$0x3FB4] =	sst s0;
	s0 =	simm.s32 @!p1 $0x0  }
0x14: {  	s2 =	sld [smem:$0x3F98];
	s0 =	simm.s32 @p1 $0x1  }
0x15: {  	[smem:$0x3FB5] =	sst s0;
	s0 =	simm.s32 @!p2 $0x0  }
0x16: {  	s3 =	sld [smem:$0x3FDB];
	s0 =	simm.s32 @p2 $0x1  }
0x17: {  	s4 =	simm.s32 $0x1BF5;
	[smem:$0x3FB7] =	sst s0  }
0x18: {  	s0 =	sld [smem:$0x3F9A];
	_ =	swait.ge [sflag:s4], $0x0  }
0x19: {  	s7 =	sld [smem:$0x3F9B]  }
0x1a: {  	s8 =	sadd.s32 $0xFFFFE003, lr  }
0x1b: {  	s9 =	sadd.s32 $0xFFFFFEF7, lr;
	s5 =	simm.s32 $0xFFFFFFFF;
	p2 =	slt.u32 s8, $0xFFFFF086  }
0x1c: {  	p1 =	slt.u32 s9, $0xF7A;
	s5 =	simm.s32 @!p2 $0x0  }
0x1d: {  	s5 =	simm.s32 @p1 $0x1;
	p0 =	seq.s32 s7, s2  }
0x1e: {  	s7 =	smul.u32 @!p0 $0xF7A, s2;
	p2 =	seq.s32 @!p0 s5, $0x0  }
0x1f: {  	s9 =	smul.u32 $0xF7A, s1;
	s8 =	simm.s32 @!p0 $0x1BF5;
	p2 =	por !p2, p0  }
0x20: {  	[sflag:s8] =	ssyncset.s32 @!p0 $0xFFFFF086;
	s6 =	sadd.s32 @!p0 s3, s7;
	s7 =	simm.s32 @!p0 $0x108  }
0x21: {  	s3 =	sadd.s32 s3, s9;
	s6 =	sadd.s32 @!p0 $0x88, s6;
	s7 =	simm.s32 @p2 $0x1082  }
0x22: {  	[simem:s7], [sflag:s8] =	dma.local @!p0 [hbm:s6], $0xF7A  }
0x23: {  	s9 =	sor.u32 $0xD0000000, s2;
	s6 =	simm.s32 $0x108;
	_ =	swait.ge @!p0 [sflag:s8], $0x0  }
0x24: {  	s3 =	sadd.s32 $0x88, s3;
	s6 =	simm.s32 @!p1 $0x1082;
	[sflag:s4] =	ssyncset.s32 $0xFFFFF086  }
0x25: {  	[simem:s6], [sflag:s4] =	dma.local [hbm:s3], $0xF7A  }
0x26: {  	[smem:$0x3F9B] =	sst s1;
	(tag) =	ssettag s2;
	_ =	strace s9  }
0x27: {  	s1 =	sld [smem:$0x3FAB]  }
0x28: {  	s2 =	sld [smem:$0x3FAC]  }
0x29: {  	s4 =	sld [smem:$0x3FAE]  }
0x2a: {  	p0 =	seq.s32 s5, $0x0;
	s5 =	sld [smem:$0x3FAF]  }
0x2b: {  	s6 =	sld [smem:$0x3FB0]  }
0x2c: {  	s7 =	sld [smem:$0x3FB1]  }
0x2d: {  	s3 =	simm.s32 $0x108;
	s8 =	sld [smem:$0x3FB2]  }
0x2e: {  	s3 =	simm.s32 @!p0 $0x1082;
	s9 =	sld [smem:$0x3FB3]  }
0x2f: {  	lr =	sadd.s32 s0, s3;
	s0 =	sld [smem:$0x3FAA]  }
0x30: {  	s3 =	sld [smem:$0x3FAD]  }
0x31: {  	[smem:$0x3FB6] =	sst s10  }
0x32: {  	s10 =	sld [smem:$0x3FB4];
	_ =	sdelay $0x3  }
0x33: {  	p0 =	seq.s32 s10, $0x1;
	s10 =	sld [smem:$0x3FB6];
	_ =	sdelay $0x3  }
0x34: {  	[smem:$0x3FB6] =	sst s10  }
0x35: {  	s10 =	sld [smem:$0x3FB5];
	_ =	sdelay $0x3  }
0x36: {  	p1 =	seq.s32 s10, $0x1;
	s10 =	sld [smem:$0x3FB6];
	_ =	sdelay $0x3  }
0x37: {  	[smem:$0x3FB6] =	sst s10  }
0x38: {  	s10 =	sld [smem:$0x3FB7]  }
0x39: {  	_ = 	snop;
	(pc) =	sbr.ind lr, $3  }
0x3a: {  	_ = 	snop  }
0x3b: {  	_ = 	snop  }
0x3c: {  	p2 =	seq.s32 s10, $0x1;
	s10 =	sld [smem:$0x3FB6]  }
0x3d: {  	_ =	shalt  }
0x3e: {  	_ =	shalt  }
0x3f: {  	_ =	shalt  }
0x40: {  	_ =	shalt  }
0x41: {  	_ =	shalt  }
0x42: {  	_ =	shalt  }
0x43: {  	_ =	shalt  }
0x44: {  	_ =	shalt  }
0x45: {  	_ =	shalt  }
0x46: {  	_ =	shalt  }
0x47: {  	_ =	shalt  }
0x48: {  	_ =	shalt  }
0x49: {  	_ =	shalt  }
0x4a: {  	_ =	shalt  }
0x4b: {  	_ =	shalt  }
0x4c: {  	_ =	shalt  }
0x4d: {  	_ =	shalt  }
0x4e: {  	_ =	shalt  }
0x4f: {  	_ =	shalt  }
0x50: {  	_ =	shalt  }
0x51: {  	_ =	shalt  }
0x52: {  	_ =	shalt  }
0x53: {  	_ =	shalt  }
0x54: {  	_ =	shalt  }
0x55: {  	_ =	shalt  }
0x56: {  	_ =	shalt  }
0x57: {  	_ =	shalt  }
0x58: {  	_ =	shalt  }
0x59: {  	_ =	shalt  }
0x5a: {  	_ =	shalt  }
0x5b: {  	_ =	shalt  }
0x5c: {  	_ =	shalt  }
0x5d: {  	_ =	shalt  }
0x5e: {  	_ =	shalt  }
0x5f: {  	_ =	shalt  }
0x60: {  	_ =	shalt  }
0x61: {  	_ =	shalt  }
0x62: {  	_ =	shalt  }
0x63: {  	_ =	shalt  }
0x64: {  	_ =	shalt  }
0x65: {  	_ =	shalt  }
0x66: {  	_ =	shalt  }
0x67: {  	_ =	shalt  }
0x68: {  	_ =	shalt  }
0x69: {  	_ =	shalt  }
0x6a: {  	_ =	shalt  }
0x6b: {  	_ =	shalt  }
0x6c: {  	_ =	shalt  }
0x6d: {  	_ =	shalt  }
0x6e: {  	_ =	shalt  }
0x6f: {  	_ =	shalt  }
0x70: {  	_ =	shalt  }
0x71: {  	_ =	shalt  }
0x72: {  	_ =	shalt  }
0x73: {  	_ =	shalt  }
0x74: {  	_ =	shalt  }
0x75: {  	_ =	shalt  }
0x76: {  	_ =	shalt  }
0x77: {  	_ =	shalt  }
0x78: {  	_ =	shalt  }
0x79: {  	_ =	shalt  }
0x7a: {  	_ =	shalt  }
0x7b: {  	_ =	shalt  }
0x7c: {  	_ =	shalt  }
0x7d: {  	_ =	shalt  }
0x7e: {  	_ =	shalt  }
0x7f: {  	_ =	shalt  }
0x80: {  	_ =	shalt  }
0x81: {  	_ =	shalt  }
0x82: {  	_ =	shalt  }
0x83: {  	_ =	shalt  }
0x84: {  	_ =	shalt  }
0x85: {  	_ =	shalt  }
0x86: {  	_ =	shalt  }
0x87: {  	_ =	shalt  }
.Lfunc_end0:
.L_simem_size_0:
called_computation.1_lowered:
.L_overlay_start_0:
0x88: {  	s2 =	sld [smem:$0x3FD9]  }
0x89: {  	s3 =	sld [smem:$0x3FFE];
	_ =	sdelay $0x1  }
0x8a: {  	s1 =	srdreg.scid  }
0x8b: {  	s0 =	sand.u32 $0x1, s1  }
0x8c: {  	s17 =	sshll.u32 s0, $0xA;
	s2 =	sadd.s32 s3, s2  }
0x8d: {  	s2 =	sadd.s32 s2, s17  }
0x8e: {  	[smem:$0x3FC2] =	sst s2  }
0x8f: {  	_ = 	snop  }
0x90: {  	(tm) =	ssettm $0x1  }
0x91: {  	s18 =	sld [smem:$0x3FFB];
	_ =	sdelay $0x3  }
0x92: {  	_ =	strace s18  }
0x93: {  	s2 =	sld [smem:$0x3FFC];
	_ =	sdelay $0x3  }
0x94: {  	_ =	strace s2  }
0x95: {  	s2 =	sld [smem:$0x3FFD];
	_ =	sdelay $0x3  }
0x96: {  	_ =	strace s2  }
0x97: {  	_ =	strace $0x8FFFFFFF  }
0x98: {  	s19 =	sld [smem:$0x3FDB];
	_ =	sdelay $0x1  }
0x99: {  	s20 =	simm.s32 $_scs_section_size  }
0x9a: {  	s4 =	simm.s32 $_size__tile_overlayer_lowered;
	s5 =	simm.s32 $_tile_overlayer_lowered  }
0x9b: {  	s6 =	simm.s32 $0x1BFF;
	s21 =	sshll.u32 s5, $0x1;
	s3 =	sadd.s32 s20, s19  }
0x9c: {  	s22 =	simm.s32 $0x0;
	s4 =	sshll.u32 s4, $0x1;
	s5 =	sadd.s32 s21, s3  }
0x9d: {  	[timem:s22], [sflag:s6] =	dma.local [hbm:s5], s4  }
0x9e: {  	_ =	swait.ge [sflag:s6], s4  }
0x9f: {  	s4 =	ssub.s32 $0x0, s4;
	[sflag:s6] =	ssyncset.done $0x0  }
0xa0: {  	[sflag:s6] =	ssyncadd.s32 s4;
	_ =	sdelay $0x1  }
0xa1: {  	s23 =	simm.s32 $0x1B8B  }
0xa2: {  	_ =	swait.ge [sflag:s23], $0x1  }
0xa3: {  	[sflag:s23] =	ssyncset.done $0x0  }
0xa4: {  	[sflag:s23] =	ssyncadd.s32 $0xFFFFFFFF  }
0xa5: {  	s4 =	sld [smem:$0x0]  }
0xa6: {  	s5 =	sand.u32 $0xFFFFFFFE, s1  }
0xa7: {  	p0 =	sne.s32 s1, s5  }
0xa8: {  	s5 =	sshll.u32 @p0 s5, $0xE  }
0xa9: {  	s5 =	sadd.s32 @p0 $0x11B8D, s5;
	s6 =	sshll.u32 @p0 s4, $0x11  }
0xaa: {  	s5 =	sor.u32 @p0 s6, s5  }
0xab: {  	[sflag:s5] =	ssyncadd.remote.s32 @p0 $0x1;
	_ =	sdelay $0x1  }
0xac: {  	s5 =	simm.s32 @p0 $0x1B8D  }
0xad: {  	_ =	swait.eq @p0 [sflag:s5], $0x1  }
0xae: {  	[sflag:s5] =	ssyncadd.s32 @p0 $0xFFFFFFFF  }
0xaf: {  	s6 =	sshll.u32 @!p0 s1, $0xE  }
0xb0: {  	s6 =	sor.u32 @!p0 $0x4000, s6;
	s5 =	simm.s32 @!p0 $0x1B8D  }
0xb1: {  	s4 =	sshll.u32 @!p0 s4, $0x11;
	s6 =	sadd.s32 @!p0 $0x11B8D, s6;
	_ =	swait.eq @!p0 [sflag:s5], $0x1  }
0xb2: {  	s4 =	sor.u32 @!p0 s4, s6;
	[sflag:s5] =	ssyncadd.s32 @!p0 $0xFFFFFFFF  }
0xb3: {  	s25 =	simm.s32 $0x1B8E;
	s24 =	sld [smem:$0x3FFE];
	[sflag:s4] =	ssyncadd.remote.s32 @!p0 $0x1  }
0xb4: {  	s26 =	simm.s32 $execute0_lowered;
	[smem:$0x3FD2] =	sst s25  }
0xb5: {  	s5 =	sshll.u32 s26, $0x1;
	_ =	strace $0x80000049;
	[dreg:$0x1] =	wrdreg $0xFFFFFFFF  }
0xb6: {  	s28 =	simm.s32 $_size_execute0_lowered;
	s3 =	sadd.s32 s3, s5;
	[dreg:$0x0] =	wrdreg $0x0  }
0xb7: {  	s5 =	sshll.u32 s28, $0x1;
	[dreg:$0x2] =	wrdreg s3  }
0xb8: {  	[dreg:$0x3] =	wrdreg s5  }
0xb9: {  	[dreg:$0x4] =	wrdreg $0xC0  }
0xba: {  	_ =	task [dreg:s22], $0x5FFFF  }
0xbb: {  	[dreg:$0x1] =	wrdreg $0xFFFFFFFF  }
0xbc: {  	[dreg:$0x0] =	wrdreg $0x60  }
0xbd: {  	[dreg:$0x2] =	wrdreg s24  }
0xbe: {  	[dreg:$0x3] =	wrdreg $0x98000  }
0xbf: {  	[dreg:$0x4] =	wrdreg $0xA  }
0xc0: {  	_ =	task.clear_ibuf [dreg:s22], $0x5FFFF;
	_ =	strace $0x90000049  }
0xc1: {  	s29 =	simm.s32 $0xA;
	_ =	strace $0x8000004B  }
0xc2: {  	_ =	swait.ge [sflag:s29], $0x1  }
0xc3: {  	[sflag:s29] =	ssyncadd.s32 $0xFFFFFFFF  }
0xc4: {  	_ =	strace $0x9000004B  }
0xc5: {  	_ =	sfence  }
0xc6: {  	s30 =	sld [smem:$0x0];
	_ =	sdelay $0x2  }
0xc7: {  	s31 =	sshll.u32 s1, $0xD;
	s1 =	sshrl.u32 s1, $0x2  }
0xc8: {  	s4 =	sand.u32 $0x4000, s31;
	s1 =	sadd.s32 s1, s30  }
0xc9: {  	s0 =	sor.u32 s4, s0;
	s1 =	sshll.u32 s1, $0x11  }
0xca: {  	s0 =	sor.u32 s1, s0  }
0xcb: {  	s0 =	sadd.s32 $0x8F2B, s0  }
0xcc: {  	[sflag:s0] =	ssyncadd.remote.s32 $0x1  }
0xcd: {  	_ =	sfence.sel $0xFFFF  }
0xce: {  	[dreg:$0x0] =	wrdreg $0xFFFFFFFF;
	(pc) =	sbr.abs _section_cstart, $3  }
0xcf: {  	[dreg:$0x1] =	wrdreg $0xFFFFFFFF  }
0xd0: {  	_ =	task.clear_ibuf [dreg:s22], $0x2FFFF;
	_ =	strace $0x9FFFFFFF  }
0xd1: {  	(tm) =	ssettm $0x7FFFFFFF  }
tec
execute0_lowered:
.L_overlay_start_1:
0x0: {  	(tag) =	ssettag $0x1  }
0x1: {  	s7 =	rddreg [dreg:$0x0]  }
0x2: {  	s1 =	rddreg [dreg:$0x1];
	s2 =	srdreg.scid  }
0x3: {  	s0 =	rddreg [dreg:$0x2];
	s3 =	simm.s32 $0x0;
	s14 =	simm.s32 $0x1800  }
0x4: {  	s15 =	simm.s32 $0x5800;
	s16 =	simm.s32 $0x1;
	s17 =	simm.s32 $0x80  }
0x5: {  	s18 =	simm.s32 $0x2;
	s8 =	sand.u32 $0x1, s2;
	s2 =	stileid.u32  }
0x6: {  	s19 =	simm.s32 $0x0;
	[smem:$0x7FF] =	sst s3;
	s6 =	smul.u32 $0x13C000, s8  }
0x7: {  	s4 =	sadd.s32 $0x1E00, s7;
	s5 =	sadd.s32 $0x53F600, s7;
	s9 =	smul.u32 $0x13C00, s2  }
0x8: {  	_ =	strace $0x8000004A;
	s10 =	sshll.u32 s2, $0x1;
	s11 =	ssub.s32 $0x2, s8  }
0x9: {  	s12 =	smul.u32 $0x4F000, s2;
	s30 =	sshll.u32 s2, $0x6;
	s10 =	sor.u32 s8, s10  }
0xa: {  	s28 =	sshrl.u32 s11, $0x1;
	s8 =	sadd.s32 $0x1C03, s30;
	s9 =	sadd.s32 s6, s9  }
.Ltmp0:
0xb: {  	s6 =	sadd.s32 $0xBE00, s7;
	s9 =	sshrl.u32 s9, $0x3;
	(pc) =	sbr.rel .LBB2_1-.Ltmp0, $4  }
0xc: {  	s29 =	sshra.s32 s12, $0x2;
	s13 =	sadd.s32 s9, s7;
	s7 =	smul.u32 $0x50, s10  }
0xd: {  	s11 =	ssub.s32 s11, s28;
	p0 =	sne.s32 s10, $0x1F;
	s12 =	sadd.s32 s29, s1  }
0xe: {  	s11 =	smax.u32 s11, $0x1;
	s12 =	sshrl.u32 s12, $0x3;
	s31 =	ssub.s32 $0x9C4, s7  }
0xf: {  	s10 =	sadd.s32 $0x5D600, s13;
	s13 =	simm.s32 $0x3;
	s9 =	smin.u32 s31, $0x50  }
.LBB2_7:
0x10: {  	s19 =	sadd.s32 $0x1, s19  }
0x11: {  	p1 =	sne.s32 s19, s11  }
.Ltmp1:
0x12: {  	[bflag:$0x0] =	sbarrier.arrive $0xFFFF;
	(pc) =	sbr.rel @!p1 .LBB2_8-.Ltmp1, $4  }
0x13: {  	[hbm:s10], [sflag:s8] =	dma.local [spmem:s12], $0x2780  }
0x14: {  	_ =	swait.ge [sflag:s13], $0x2780  }
0x15: {  	[sflag:s13] =	ssyncset.done $0x0  }
0x16: {  	[sflag:s13] =	ssyncadd.s32 $0xFFFFD880  }
.LBB2_1:
0x17: {  	[spmem:s12], [sflag:s8] =	dma.local [hbm:s6], $0x2780  }
.Ltmp2:
0x18: {  	_ =	swait.ge [sflag:s13], $0x2780;
	(pc) =	sbr.rel .LBB2_2-.Ltmp2, $4  }
0x19: {  	[sflag:s13] =	ssyncset.done $0x0  }
0x1a: {  	[sflag:s13] =	ssyncadd.s32 $0xFFFFD880  }
0x1b: {  	[bflag:$0x0] =	sbarrier.arrive $0xFFFF  }
0x1c: {  	p2 =	por p0, p0;
	s21 =	simm.s32 $0x0  }
.LBB2_5:
0x1d: {  	[sflag:s13] =	ssyncadd.s32 $0xFFFFC000;
	s20 =	sadd.s32 s5, s25  }
0x1e: {  	[tilespmem:s15], [sflag:$0x2] =	stream.linear.gather [hbm4b:s20+s3], $0x4000, $0x38;
	[tilespmem:$0x1D400] =	vst v63  }
.LBB2_6:
0x1f: {  	_ =	swait.ge [sflag:s16], $0x4000  }
.Ltmp3:
0x20: {  	[sflag:s16] =	ssyncset.done $0x0;
	(pc) =	sbr.rel @!p1 .LBB2_7-.Ltmp3, $4  }
0x21: {  	[sflag:s16] =	ssyncadd.s32 $0xFFFFC000  }
0x22: {  	_ =	swait.ge [sflag:s18], $0x4000  }
0x23: {  	[sflag:s18] =	ssyncset.done $0x0  }
0x24: {  	s21 =	simm.s32 $0x30;
	p2 =	por $0x0, $0x0;
	[sflag:s18] =	ssyncadd.s32 $0xFFFFC000  }
.LBB2_2:
0x25: {  	s20 =	sadd.s32 s7, s21  }
0x26: {  	s22 =	sshll.u32 s20, $0x4  }
0x27: {  	s23 =	ssub.s32 s9, s21;
	s29 =	sadd.s32 s4, s22  }
0x28: {  	[tilespmem:s3], [sflag:$0x3] =	stream.linear.gather [hbm4b:s29+s3], $0x1800, $0x38;
	[tilespmem:$0x1D400] =	vst v63  }
0x29: {  	p1 =	slt.s32 s23, $0x30;
	s30 =	sshll.u32 s20, $0xB;
	_ =	swait.ge [sflag:s13], $0x1800  }
0x2a: {  	s23 =	simm.s32 @!p1 $0x30;
	s31 =	sand.u32 $0x1FFF8000, s30;
	[sflag:s13] =	ssyncset.done $0x0  }
0x2b: {  	s21 =	sadd.s32 $0xFFFFFFFF, s23;
	s22 =	sadd.s32 s5, s31;
	[sflag:s13] =	ssyncadd.s32 $0xFFFFE800  }
0x2c: {  	[tilespmem:s14], [sflag:$0x1] =	stream.linear.gather [hbm4b:s22+s3], $0x4000, $0x38;
	[tilespmem:$0x1D400] =	vst v63  }
0x2d: {  	s23 =	sshra.s32 s23, $0x1;
	p1 =	slt.s32 s21, $0x1;
	s22 =	smov.u32 s21  }
0x2e: {  	p3 =	slt.s32 s23, $0x1;
	s22 =	simm.s32 @!p1 $0x1  }
.Ltmp4:
0x2f: {  	s22 =	sadd.s32 s20, s22;
	(pc) =	sbr.rel @p3 .LBB2_6-.Ltmp4, $4  }
0x30: {  	s22 =	sshll.u32 s22, $0xB  }
0x31: {  	s22 =	sand.u32 $0x1FFFF800, s22  }
0x32: {  	p1 =	por p2, p2;
	s22 =	sadd.s32 s5, s22  }
0x33: {  	[tilespmem:s15], [sflag:$0x2] =	stream.linear.gather [hbm4b:s22+s3], $0x4000, $0x38;
	[tilespmem:$0x1D400] =	vst v63  }
0x34: {  	s22 =	simm.s32 $0x2  }
0x35: {  	_ =	swait.ge [sflag:s16], $0x4000;
	p2 =	sgt.s32 s21, $0x2;
	s24 =	smov.u32 s21  }
0x36: {  	[sflag:s16] =	ssyncset.done $0x0;
	s24 =	smov.u32 @p2 s22  }
0x37: {  	s30 =	simm.s32 $0x0;
	[sflag:s16] =	ssyncadd.s32 $0xFFFFC000;
	s24 =	sadd.s32 s20, s24  }
0x38: {  	[spmem:s1] =	stream.indirect.scatter.add.f32 [tilespmem:s14], [sflag:$0x3], $0x80, s30, s17, $0xb8;
	[tilespmem:$0x1D400] =	vst v63  }
0x39: {  	s25 =	smov.u32 s21;
	s31 =	sshll.u32 s24, $0xB;
	_ =	swait.ge [sflag:s13], $0x4000  }
0x3a: {  	p2 =	sgt.s32 s21, $0x3;
	s22 =	sand.u32 $0x1FFFF800, s31;
	[sflag:s13] =	ssyncset.done $0x0  }
0x3b: {  	s24 =	simm.s32 $0x3;
	s22 =	sadd.s32 s5, s22;
	[sflag:s13] =	ssyncadd.s32 $0xFFFFC000  }
0x3c: {  	[tilespmem:s14], [sflag:$0x1] =	stream.linear.gather [hbm4b:s22+s3], $0x4000, $0x38;
	[tilespmem:$0x1D400] =	vst v63  }
0x3d: {  	s25 =	smov.u32 @p2 s24;
	p2 =	sne.s32 s23, $0x1;
	_ =	swait.ge [sflag:s18], $0x4000  }
.Ltmp5:
0x3e: {  	[sflag:s18] =	ssyncset.done $0x0;
	(pc) =	sbr.rel @!p2 .LBB2_5-.Ltmp5, $4  }
0x3f: {  	s24 =	sadd.s32 s20, s25;
	s22 =	simm.s32 $0x80;
	[sflag:s18] =	ssyncadd.s32 $0xFFFFC000  }
0x40: {  	[spmem:s1] =	stream.indirect.scatter.add.f32 [tilespmem:s15], [sflag:$0x3], $0x80, s22, s17, $0xb8;
	[tilespmem:$0x1D400] =	vst v63  }
0x41: {  	s23 =	sadd.s32 $0xFFFFFFFF, s23;
	s24 =	sshll.u32 s24, $0xB;
	_ =	swait.ge [sflag:s13], $0x4000  }
0x42: {  	s25 =	sand.u32 $0x1FFFF800, s24;
	s24 =	simm.s32 $0x4;
	[sflag:s13] =	ssyncset.done $0x0  }
.LBB2_4:
0x43: {  	[sflag:s13] =	ssyncadd.s32 $0xFFFFC000  }
0x44: {  	s25 =	sadd.s32 s5, s25;
	s22 =	sadd.s32 $0x100, s22;
	p3 =	slt.s32 s24, s21  }
0x45: {  	[tilespmem:s15], [sflag:$0x2] =	stream.linear.gather [hbm4b:s25+s3], $0x4000, $0x38;
	[tilespmem:$0x1D400] =	vst v63  }
0x46: {  	p2 =	sne.s32 s23, $0x1;
	s26 =	smov.u32 s21;
	_ =	swait.ge [sflag:s16], $0x4000  }
0x47: {  	s25 =	sadd.s32 $0xFFFFFF80, s22;
	s26 =	smov.u32 @p3 s24;
	[sflag:s16] =	ssyncset.done $0x0  }
0x48: {  	s23 =	sadd.s32 $0xFFFFFFFF, s23;
	s26 =	sadd.s32 s20, s26;
	[sflag:s16] =	ssyncadd.s32 $0xFFFFC000  }
0x49: {  	[spmem:s1] =	stream.indirect.scatter.add.f32 [tilespmem:s14], [sflag:$0x3], $0x80, s25, s17, $0xb8;
	[tilespmem:$0x1D400] =	vst v63  }
0x4a: {  	s25 =	sshll.u32 s26, $0xB;
	_ =	swait.ge [sflag:s13], $0x4000  }
0x4b: {  	s25 =	sand.u32 $0x1FFFF800, s25;
	[sflag:s13] =	ssyncset.done $0x0  }
0x4c: {  	s26 =	sadd.s32 $0x1, s24;
	s25 =	sadd.s32 s5, s25;
	[sflag:s13] =	ssyncadd.s32 $0xFFFFC000  }
0x4d: {  	[tilespmem:s14], [sflag:$0x1] =	stream.linear.gather [hbm4b:s25+s3], $0x4000, $0x38;
	[tilespmem:$0x1D400] =	vst v63  }
0x4e: {  	p3 =	slt.s32 s26, s21;
	s25 =	smov.u32 s21;
	_ =	swait.ge [sflag:s18], $0x4000  }
.Ltmp6:
0x4f: {  	s25 =	smov.u32 @p3 s26;
	[sflag:s18] =	ssyncset.done $0x0;
	(pc) =	sbr.rel @p2 .LBB2_4-.Ltmp6, $4  }
0x50: {  	s25 =	sadd.s32 s20, s25;
	[sflag:s18] =	ssyncadd.s32 $0xFFFFC000  }
0x51: {  	[spmem:s1] =	stream.indirect.scatter.add.f32 [tilespmem:s15], [sflag:$0x3], $0x80, s22, s17, $0xb8;
	[tilespmem:$0x1D400] =	vst v63  }
0x52: {  	s25 =	sshll.u32 s25, $0xB;
	_ =	swait.ge [sflag:s13], $0x4000  }
0x53: {  	s24 =	sadd.s32 $0x2, s24;
	s25 =	sand.u32 $0x1FFFF800, s25;
	[sflag:s13] =	ssyncset.done $0x0  }
.Ltmp7:
0x54: {  	_ = 	snop;
	(pc) =	sbr.rel .LBB2_5-.Ltmp7, $1  }
0x55: {  	_ =	sdelay $0x3  }
.LBB2_8:
0x56: {  	_ =	sfence.sel $0x180000  }
0x57: {  	[bflag:$0x0] =	sbarrier.arrive $0xFFFF  }
0x58: {  	p0 =	sne.s32 s2, $0x0;
	_ =	strace $0x9000004A  }
0x59: {  	s0 =	sadd.s32 @!p0 $0x100000, s0;
	[bflag:$0x2] =	sbarrier.arrive $0xFFFF  }
0x5a: {  	[sflag:s0] =	ssyncadd.tile.s32 @!p0 $0x1;
	_ =	shalt  }
.Lfunc_end2:
_tile_overlayer_lowered:
.L_overlay_start_2:
0x5b: {  	(tag) =	ssettag $0x2  }
0x5c: {  	s0 =	rddreg [dreg:$0x0];
	s2 =	stileid.u32  }
0x5d: {  	s1 =	rddreg [dreg:$0x1];
	p0 =	sne.s32 s2, $0x0  }
0x5e: {  	s3 =	rddreg [dreg:$0x2];
	[bflag:$0x3] =	sbarrier.arrive $0xFFFF;
	s2 =	simm.s32 @!p0 $0x1C03  }
0x5f: {  	[timem:s3], [sflag:s2] =	dma.local @!p0 [hbm:s0], s1  }
0x60: {  	s0 =	simm.s32 @!p0 $0x3  }
0x61: {  	_ =	swait.ge @!p0 [sflag:s0], s1  }
0x62: {  	s1 =	ssub.s32 @!p0 $0x0, s1;
	[sflag:s0] =	ssyncset.done @!p0 $0x0  }
0x63: {  	[sflag:s0] =	ssyncadd.s32 @!p0 s1  }
0x64: {  	[bflag:$0x3] =	sbarrier.arrive $0xFFFF  }
0x65: {  	_ =	shalt  }

</sc_bundles>
